<compile_context>
chip_gen: v7x
topology: tpu7x:2x2x1
jax: 0.10.2.dev20260603
libtpu: 0.0.44.dev20260713+nightly
codegen_flags: <defaults>
</compile_context>

<pallas_src>
import functools

import jax
import jax.numpy as jnp
from jax import lax
from jax.experimental import pallas as pl
from jax.experimental.pallas import tpu as pltpu
from jax.experimental.pallas import tpu_sc as plsc

B = 8
N = 4096
NPT = 512
KNN = 32
M = B * NPT * KNN
MT = 4096
NW = 32
RPW = M // NW
F32 = jnp.float32



def _fps_body(xyz_ref, far_ref, nxyz_ref, dist_ref):
    dist_ref[...] = jnp.full((B, N), 1e10, F32)
    lane = lax.broadcasted_iota(jnp.int32, (B, N), 1)
    pcol = lax.broadcasted_iota(jnp.int32, (B, NPT), 1)
    xyz = xyz_ref[...]

    def body(i, far):
        ohf = (lane == far).astype(F32)
        cen = jnp.sum(xyz * ohf[None], axis=2, keepdims=True)
        nxyz_ref[...] = jnp.where((pcol == i)[None], cen, nxyz_ref[...])
        d3 = (xyz - cen) ** 2
        d = (d3[0] + d3[1]) + d3[2]
        dist = jnp.minimum(dist_ref[...], d)
        dist_ref[...] = dist
        m = jnp.max(dist, axis=1, keepdims=True)
        return jnp.min(jnp.where(dist == m, lane, N), axis=1, keepdims=True)

    lax.fori_loop(0, NPT, body, far_ref[...])


_fps_call = pl.pallas_call(
    _fps_body,
    out_shape=jax.ShapeDtypeStruct((3, B, NPT), F32),
    scratch_shapes=[pltpu.VMEM((B, N), F32)],
)



def _knn_body(s_ref, d_ref, idx_ref, dist_ref):
    b = pl.program_id(0)
    S = s_ref[0]
    Dt = d_ref[0]
    G = lax.dot_general(S, Dt, (((1,), (0,)), ((), ())),
                        preferred_element_type=F32)
    s2 = jnp.sum(S * S, axis=1, keepdims=True)
    d2 = jnp.sum(Dt * Dt, axis=0, keepdims=True)
    dist_ref[...] = (-2.0 * G + s2) + d2
    lane = lax.broadcasted_iota(jnp.int32, (NPT, N), 1)
    kcol = lax.broadcasted_iota(jnp.int32, (NPT, KNN), 1)

    def it(k, acc):
        dist = dist_ref[...]
        m = jnp.min(dist, axis=1, keepdims=True)
        sel = jnp.min(jnp.where(dist == m, lane, N), axis=1, keepdims=True)
        dist_ref[...] = jnp.where(lane == sel, jnp.float32(jnp.inf), dist)
        return jnp.where(kcol == k, sel, acc)

    acc = lax.fori_loop(0, KNN, it, jnp.zeros((NPT, KNN), jnp.int32))
    idx_ref[0] = acc + b * N


_knn_call = pl.pallas_call(
    _knn_body,
    grid=(B,),
    in_specs=[
        pl.BlockSpec((1, NPT, 4), lambda b: (b, 0, 0)),
        pl.BlockSpec((1, 4, N), lambda b: (b, 0, 0)),
    ],
    out_specs=pl.BlockSpec((1, NPT, KNN), lambda b: (b, 0, 0)),
    out_shape=jax.ShapeDtypeStruct((B, NPT, KNN), jnp.int32),
    scratch_shapes=[pltpu.VMEM((NPT, N), F32)],
)



@functools.partial(
    pl.kernel,
    out_type=jax.ShapeDtypeStruct((3 * M,), F32),
    mesh=plsc.VectorSubcoreMesh(core_axis_name="c", subcore_axis_name="s"),
    compiler_params=pltpu.CompilerParams(needs_layout_passes=False),
    scratch_types=[
        pltpu.VMEM((RPW,), jnp.int32),
        pltpu.VMEM((N,), F32),
        pltpu.VMEM((N,), F32),
        pltpu.VMEM((N,), F32),
        pltpu.VMEM((RPW,), F32),
        pltpu.VMEM((RPW,), F32),
        pltpu.VMEM((RPW,), F32),
    ],
)
def _sc_gather(planes_hbm, idx_hbm, out_hbm,
               idx_v, t0, t1, t2, r0, r1, r2):
    wid = lax.axis_index("s") * 2 + lax.axis_index("c")
    batch = wid // (NW // B)
    pltpu.sync_copy(idx_hbm.at[pl.ds(wid * RPW, RPW)], idx_v)
    pltpu.sync_copy(planes_hbm.at[pl.ds(batch * N, N)], t0)
    pltpu.sync_copy(planes_hbm.at[pl.ds(B * N + batch * N, N)], t1)
    pltpu.sync_copy(planes_hbm.at[pl.ds(2 * B * N + batch * N, N)], t2)

    def step(i, _):
        iv = idx_v[pl.ds(i * 16, 16)] - batch * N
        r0[pl.ds(i * 16, 16)] = plsc.load_gather(t0, [iv])
        r1[pl.ds(i * 16, 16)] = plsc.load_gather(t1, [iv])
        r2[pl.ds(i * 16, 16)] = plsc.load_gather(t2, [iv])
        return 0

    lax.fori_loop(0, RPW // 16, step, 0)
    pltpu.sync_copy(r0, out_hbm.at[pl.ds(wid * RPW, RPW)])
    pltpu.sync_copy(r1, out_hbm.at[pl.ds(M + wid * RPW, RPW)])
    pltpu.sync_copy(r2, out_hbm.at[pl.ds(2 * M + wid * RPW, RPW)])



def _sums_update(t, y, s_ref):
    cur = jnp.concatenate(
        [jnp.sum(y, axis=0, keepdims=True),
         jnp.sum(y * y, axis=0, keepdims=True)], axis=0)

    @pl.when(t == 0)
    def _():
        s_ref[...] = cur

    @pl.when(t != 0)
    def _():
        s_ref[...] = s_ref[...] + cur


def _l1_body(x_ref, c_ref, w_ref, b_ref, y_ref, s_ref):
    t = pl.program_id(0)
    X = x_ref[...]
    C = c_ref[...]
    Cexp = jnp.broadcast_to(C[:, :, None],
                            (3, MT // KNN, KNN)).reshape(3, MT)
    Xn = X - Cexp
    Y = lax.dot_general(Xn, w_ref[...], (((0,), (1,)), ((), ())),
                        preferred_element_type=F32)
    Y = Y + b_ref[...]
    y_ref[...] = Y.astype(jnp.bfloat16)
    _sums_update(t, Y, s_ref)


def _bn_in_kernel(s_ref, g_ref, be_ref):
    mean = s_ref[0:1, :] * (1.0 / M)
    var = s_ref[1:2, :] * (1.0 / M) - mean * mean
    scale = g_ref[...] / jnp.sqrt(var + 1e-5)
    shift = be_ref[...] - mean * scale
    return scale, shift


def _mid_body(y_ref, s_in_ref, g_ref, be_ref, w_ref, b_ref, o_ref, s_ref):
    t = pl.program_id(0)
    sc, sh = _bn_in_kernel(s_in_ref, g_ref, be_ref)
    Z = jnp.maximum(y_ref[...].astype(F32) * sc + sh, 0.0)
    Y = lax.dot_general(Z, w_ref[...], (((1,), (1,)), ((), ())),
                        preferred_element_type=F32)
    Y = Y + b_ref[...]
    o_ref[...] = Y.astype(jnp.bfloat16)
    _sums_update(t, Y, s_ref)


def _last_body(y_ref, s_in_ref, g_ref, be_ref, w_ref, b_ref, o_ref, s_ref):
    t = pl.program_id(0)
    sc, sh = _bn_in_kernel(s_in_ref, g_ref, be_ref)
    Z = jnp.maximum(y_ref[...].astype(F32) * sc + sh, 0.0)
    Y = lax.dot_general(Z, w_ref[...], (((1,), (1,)), ((), ())),
                        preferred_element_type=F32)
    Y = Y + b_ref[...]
    _sums_update(t, Y, s_ref)
    o_ref[...] = jnp.max(Y.reshape(MT // KNN, KNN, 256), axis=1)


def _fin_body(y_ref, s_in_ref, g_ref, be_ref, o_ref):
    sc, sh = _bn_in_kernel(s_in_ref, g_ref, be_ref)
    o_ref[...] = jnp.maximum(y_ref[...] * sc + sh, 0.0)


def _row_spec(c):
    return pl.BlockSpec((MT, c), lambda t: (t, 0))


def _const_spec(shape):
    nd = len(shape)
    return pl.BlockSpec(shape, lambda t: (0,) * nd)


def _make_layer(body, cin, cout, extra_in, out_rows, out_dtype):
    ins = [_row_spec(cin)] + extra_in + [
        _const_spec((cout, cin)), _const_spec((1, cout))]
    return pl.pallas_call(
        body,
        grid=(M // MT,),
        in_specs=ins,
        out_specs=[
            pl.BlockSpec((out_rows, cout), lambda t: (t, 0)),
            _const_spec((2, cout)),
        ],
        out_shape=[
            jax.ShapeDtypeStruct((M // MT * out_rows, cout), out_dtype),
            jax.ShapeDtypeStruct((2, cout), F32),
        ],
    )


_l1_call = pl.pallas_call(
    _l1_body,
    grid=(M // MT,),
    in_specs=[
        pl.BlockSpec((3, MT), lambda t: (0, t)),
        pl.BlockSpec((3, MT // KNN), lambda t: (0, t)),
        _const_spec((64, 3)),
        _const_spec((1, 64)),
    ],
    out_specs=[
        pl.BlockSpec((MT, 64), lambda t: (t, 0)),
        _const_spec((2, 64)),
    ],
    out_shape=[
        jax.ShapeDtypeStruct((M, 64), jnp.bfloat16),
        jax.ShapeDtypeStruct((2, 64), F32),
    ],
)
_l2_call = _make_layer(
    _mid_body, 64, 128,
    [_const_spec((2, 64)), _const_spec((1, 64)), _const_spec((1, 64))], MT,
    jnp.bfloat16)
_l3_call = _make_layer(
    _last_body, 128, 256,
    [_const_spec((2, 128)), _const_spec((1, 128)), _const_spec((1, 128))],
    MT // KNN, F32)

_fin_call = pl.pallas_call(
    _fin_body,
    grid=(1,),
    in_specs=[
        pl.BlockSpec((B * NPT, 256), lambda t: (t, 0)),
        _const_spec((2, 256)),
        _const_spec((1, 256)),
        _const_spec((1, 256)),
    ],
    out_specs=pl.BlockSpec((B * NPT, 256), lambda t: (t, 0)),
    out_shape=jax.ShapeDtypeStruct((B * NPT, 256), F32),
)



def kernel(xyz, params):
    (W1, b1, g1, be1, W2, b2, g2, be2, W3, b3, g3, be3) = params

    xyz_t = jnp.transpose(xyz, (2, 0, 1))
    far0 = jax.random.randint(jax.random.key(42), (B,), 0, N)
    far0 = far0.astype(jnp.int32).reshape(B, 1)
    nxyz3 = _fps_call(xyz_t, far0)
    new_xyz = jnp.transpose(nxyz3, (1, 2, 0))

    xyz_tp = jnp.concatenate(
        [jnp.transpose(xyz_t, (1, 0, 2)), jnp.zeros((B, 1, N), F32)], axis=1)
    nx_p = jnp.concatenate([new_xyz, jnp.zeros((B, NPT, 1), F32)], axis=-1)

    idx = _knn_call(nx_p, xyz_tp)
    planes = xyz_t.reshape(3 * B * N)
    Xp = _sc_gather(planes, idx.reshape(M)).reshape(3, M)
    nx3 = nxyz3.reshape(3, B * NPT)

    Y1, sums1 = _l1_call(Xp, nx3, W1, b1.reshape(1, -1))
    Y2, sums2 = _l2_call(Y1, sums1, g1.reshape(1, -1), be1.reshape(1, -1),
                         W2, b2.reshape(1, -1))
    Y3m, sums3 = _l3_call(Y2, sums2, g2.reshape(1, -1), be2.reshape(1, -1),
                          W3, b3.reshape(1, -1))
    outp = _fin_call(Y3m, sums3, g3.reshape(1, -1), be3.reshape(1, -1))

    new_points = jnp.transpose(outp.reshape(B, NPT, 256), (0, 2, 1))
    return (new_xyz, new_points)

# --- scband reference (transcript-rebuilt; emitter-appended) ---
"""Pipeline reference for scband-point-net-set-abstraction-11123965297214 (READ-ONLY COPY).

The authoritative reference and input builder live on the scoring server;
editing this copy changes nothing except your own understanding.
"""

import jax, jax.numpy as jnp
import numpy as np

NPOINT = 512
K = 32
MLP = [64, 128, 256]


def farthest_point_sample(xyz, npoint):
    B, N, _ = xyz.shape
    farthest = jax.random.randint(jax.random.key(42), (B,), 0, N)
    distance = jnp.full((B, N), 1e10, dtype=xyz.dtype)
    centroids = jnp.zeros((B, npoint), dtype=jnp.int32)

    def body(carry, i):
        centroids, distance, farthest = carry
        centroids = centroids.at[:, i].set(farthest.astype(jnp.int32))
        centroid = xyz[jnp.arange(B), farthest, :][:, None, :]
        dist = jnp.sum((xyz - centroid) ** 2, -1)
        distance = jnp.minimum(distance, dist)
        farthest = jnp.argmax(distance, -1)
        return (centroids, distance, farthest), None

    (centroids, _, _), _ = jax.lax.scan(body, (centroids, distance, farthest), jnp.arange(npoint))
    return centroids


def square_distance(src, dst):
    dist = -2.0 * jnp.matmul(src, jnp.swapaxes(dst, 2, 1))
    dist = dist + jnp.sum(src ** 2, -1)[:, :, None]
    dist = dist + jnp.sum(dst ** 2, -1)[:, None, :]
    return dist


def _forward(xyz, params):
    fps_idx = farthest_point_sample(jax.lax.stop_gradient(xyz), NPOINT)
    new_xyz = jax.vmap(lambda p, i: p[i])(xyz, fps_idx)
    dists = square_distance(jax.lax.stop_gradient(new_xyz), jax.lax.stop_gradient(xyz))
    idx = jnp.argsort(dists, axis=-1)[:, :, :K]
    grouped_xyz = jax.vmap(lambda p, i: p[i])(xyz, idx)
    grouped_xyz_norm = grouped_xyz - new_xyz[:, :, None, :]
    x = jnp.transpose(grouped_xyz_norm, (0, 3, 2, 1))  # [B, 3, k, npoint]
    nl = len(params) // 4
    for li in range(nl):
        W, b, gamma, beta = params[4 * li:4 * li + 4]
        x = jnp.einsum('oc,bckn->bokn', W, x) + b[None, :, None, None]
        mean = jnp.mean(x, axis=(0, 2, 3), keepdims=True)
        var = jnp.var(x, axis=(0, 2, 3), keepdims=True)
        x = (x - mean) / jnp.sqrt(var + 1e-5)
        x = x * gamma[None, :, None, None] + beta[None, :, None, None]
        x = jax.nn.relu(x)
    new_points = jnp.max(x, axis=2)  # max over neighbor dim -> [B, C_out, npoint]
    return (new_xyz, new_points)


def setup_inputs(seed: int = 0):
    key = jax.random.key(seed)
    ks = jax.random.split(key, 1 + len(MLP))
    xyz = jax.random.normal(ks[0], (8, 4096, 3), dtype=jnp.float32)
    params = []
    last = 3
    for i, o in enumerate(MLP):
        bound = 1.0 / np.sqrt(last)
        W = jax.random.uniform(ks[1 + i], (o, last), dtype=jnp.float32, minval=-bound, maxval=bound)
        b = jnp.zeros((o,), dtype=jnp.float32)
        gamma = jnp.ones((o,), dtype=jnp.float32)
        beta = jnp.zeros((o,), dtype=jnp.float32)
        params += [W, b, gamma, beta]
        last = o
    return {"xyz": xyz, "params": tuple(params)}


def reference(xyz, params):
    return _forward(xyz, params)

if __name__ == "__main__":
    import jax
    _d = setup_inputs()
    print(jax.jit(kernel)(*tuple(_d.values())))

</pallas_src>

<mosaic_0001>
#map = affine_map<(d0, d1) -> (0)>
module attributes {stable_mosaic.version = 14 : i64} {
  func.func @_sc_gather(%arg0: i32, %arg1: i32, %arg2: memref<98304xf32, #tpu.memory_space<hbm>>, %arg3: memref<131072xi32, #tpu.memory_space<hbm>>, %arg4: memref<393216xf32, #tpu.memory_space<hbm>>, %arg5: memref<4096xi32, #tpu.memory_space<vmem>>, %arg6: memref<4096xf32, #tpu.memory_space<vmem>>, %arg7: memref<4096xf32, #tpu.memory_space<vmem>>, %arg8: memref<4096xf32, #tpu.memory_space<vmem>>, %arg9: memref<4096xf32, #tpu.memory_space<vmem>>, %arg10: memref<4096xf32, #tpu.memory_space<vmem>>, %arg11: memref<4096xf32, #tpu.memory_space<vmem>>) attributes {dimension_semantics = [#tpu.dimension_semantics<core_parallel>, #tpu.dimension_semantics<subcore_parallel>], iteration_bounds = array<i64: 2, 16>, scalar_prefetch = 0 : i64, scratch_operands = 7 : i64, tpu.core_type = #tpu.core_type<sc_vector_subcore>, window_params = [{transform_indices = #map}, {transform_indices = #map}, {transform_indices = #map}]} {
    %mul3A = arith.constant 2 : i32
    %mul3A_0 = arith.muli %arg1, %mul3A : i32
    %add3A = arith.addi %mul3A_0, %arg0 : i32
    %jit3A = arith.constant 4 : i32
    %div3A = arith.divsi %add3A, %jit3A : i32
    %sign3A = arith.constant 0 : i32
    %sign3A_1 = arith.cmpi sgt, %add3A, %sign3A : i32
    %sign3A_2 = arith.extui %sign3A_1 : i1 to i32
    %sign3A_3 = arith.constant 0 : i32
    %sign3A_4 = arith.cmpi slt, %add3A, %sign3A_3 : i32
    %sign3A_5 = arith.extui %sign3A_4 : i1 to i32
    %sign3A_6 = arith.subi %sign3A_2, %sign3A_5 : i32
    %sign3A_7 = arith.constant 0 : i32
    %sign3A_8 = arith.cmpi sgt, %jit3A, %sign3A_7 : i32
    %sign3A_9 = arith.extui %sign3A_8 : i1 to i32
    %sign3A_10 = arith.constant 0 : i32
    %sign3A_11 = arith.cmpi slt, %jit3A, %sign3A_10 : i32
    %sign3A_12 = arith.extui %sign3A_11 : i1 to i32
    %sign3A_13 = arith.subi %sign3A_9, %sign3A_12 : i32
    %ne3A = arith.cmpi ne, %sign3A_6, %sign3A_13 : i32
    %rem3A = arith.remsi %add3A, %jit3A : i32
    %ne3A_14 = arith.constant 0 : i32
    %ne3A_15 = arith.cmpi ne, %rem3A, %ne3A_14 : i32
    %and3A = arith.andi %ne3A, %ne3A_15 : i1
    %sub3A = arith.constant 1 : i32
    %sub3A_16 = arith.subi %div3A, %sub3A : i32
    %select_n3A = arith.select %and3A, %sub3A_16, %div3A : i32
    %mul3A_17 = arith.constant 4096 : i32
    %mul3A_18 = arith.muli %add3A, %mul3A_17 : i32
    "tpu.region"() ({
      %run_scoped3A = tpu.sem_alloc : memref<!tpu.dma_semaphore, #tpu.memory_space<semaphore_mem>>
      %dma_start3A = tpu.memref_slice %arg3[%mul3A_18] : memref<131072xi32, #tpu.memory_space<hbm>> -> memref<4096xi32, #tpu.memory_space<hbm>>
      %dma_start3A_45 = tpu.memref_slice %arg3[%mul3A_18] : memref<131072xi32, #tpu.memory_space<hbm>> -> memref<4096xi32, #tpu.memory_space<hbm>>
      tpu.enqueue_dma source(%dma_start3A_45 : memref<4096xi32, #tpu.memory_space<hbm>>) target(%arg5 : memref<4096xi32, #tpu.memory_space<vmem>>) target_semaphore(%run_scoped3A : memref<!tpu.dma_semaphore, #tpu.memory_space<semaphore_mem>>)
      %dma_wait3A = tpu.memref_slice %arg3[%mul3A_18] : memref<131072xi32, #tpu.memory_space<hbm>> -> memref<4096xi32, #tpu.memory_space<hbm>>
      %dma_wait3A_46 = tpu.memref_slice %arg3[%mul3A_18] : memref<131072xi32, #tpu.memory_space<hbm>> -> memref<4096xi32, #tpu.memory_space<hbm>>
      tpu.wait_dma2 semaphore(%run_scoped3A : memref<!tpu.dma_semaphore, #tpu.memory_space<semaphore_mem>>) src(%dma_wait3A_46 : memref<4096xi32, #tpu.memory_space<hbm>>) dst(%arg5 : memref<4096xi32, #tpu.memory_space<vmem>>)
      tpu.yield
    }) : () -> ()
    %mul3A_19 = arith.constant 4096 : i32
    %mul3A_20 = arith.muli %select_n3A, %mul3A_19 : i32
    "tpu.region"() ({
      %run_scoped3A = tpu.sem_alloc : memref<!tpu.dma_semaphore, #tpu.memory_space<semaphore_mem>>
      %dma_start3A = tpu.memref_slice %arg2[%mul3A_20] : memref<98304xf32, #tpu.memory_space<hbm>> -> memref<4096xf32, #tpu.memory_space<hbm>>
      %dma_start3A_45 = tpu.memref_slice %arg2[%mul3A_20] : memref<98304xf32, #tpu.memory_space<hbm>> -> memref<4096xf32, #tpu.memory_space<hbm>>
      tpu.enqueue_dma source(%dma_start3A_45 : memref<4096xf32, #tpu.memory_space<hbm>>) target(%arg6 : memref<4096xf32, #tpu.memory_space<vmem>>) target_semaphore(%run_scoped3A : memref<!tpu.dma_semaphore, #tpu.memory_space<semaphore_mem>>)
      %dma_wait3A = tpu.memref_slice %arg2[%mul3A_20] : memref<98304xf32, #tpu.memory_space<hbm>> -> memref<4096xf32, #tpu.memory_space<hbm>>
      %dma_wait3A_46 = tpu.memref_slice %arg2[%mul3A_20] : memref<98304xf32, #tpu.memory_space<hbm>> -> memref<4096xf32, #tpu.memory_space<hbm>>
      tpu.wait_dma2 semaphore(%run_scoped3A : memref<!tpu.dma_semaphore, #tpu.memory_space<semaphore_mem>>) src(%dma_wait3A_46 : memref<4096xf32, #tpu.memory_space<hbm>>) dst(%arg6 : memref<4096xf32, #tpu.memory_space<vmem>>)
      tpu.yield
    }) : () -> ()
    %mul3A_21 = arith.constant 4096 : i32
    %mul3A_22 = arith.muli %select_n3A, %mul3A_21 : i32
    %add3A_23 = arith.constant 32768 : i32
    %add3A_24 = arith.addi %add3A_23, %mul3A_22 : i32
    "tpu.region"() ({
      %run_scoped3A = tpu.sem_alloc : memref<!tpu.dma_semaphore, #tpu.memory_space<semaphore_mem>>
      %dma_start3A = tpu.memref_slice %arg2[%add3A_24] : memref<98304xf32, #tpu.memory_space<hbm>> -> memref<4096xf32, #tpu.memory_space<hbm>>
      %dma_start3A_45 = tpu.memref_slice %arg2[%add3A_24] : memref<98304xf32, #tpu.memory_space<hbm>> -> memref<4096xf32, #tpu.memory_space<hbm>>
      tpu.enqueue_dma source(%dma_start3A_45 : memref<4096xf32, #tpu.memory_space<hbm>>) target(%arg7 : memref<4096xf32, #tpu.memory_space<vmem>>) target_semaphore(%run_scoped3A : memref<!tpu.dma_semaphore, #tpu.memory_space<semaphore_mem>>)
      %dma_wait3A = tpu.memref_slice %arg2[%add3A_24] : memref<98304xf32, #tpu.memory_space<hbm>> -> memref<4096xf32, #tpu.memory_space<hbm>>
      %dma_wait3A_46 = tpu.memref_slice %arg2[%add3A_24] : memref<98304xf32, #tpu.memory_space<hbm>> -> memref<4096xf32, #tpu.memory_space<hbm>>
      tpu.wait_dma2 semaphore(%run_scoped3A : memref<!tpu.dma_semaphore, #tpu.memory_space<semaphore_mem>>) src(%dma_wait3A_46 : memref<4096xf32, #tpu.memory_space<hbm>>) dst(%arg7 : memref<4096xf32, #tpu.memory_space<vmem>>)
      tpu.yield
    }) : () -> ()
    %mul3A_25 = arith.constant 4096 : i32
    %mul3A_26 = arith.muli %select_n3A, %mul3A_25 : i32
    %add3A_27 = arith.constant 65536 : i32
    %add3A_28 = arith.addi %add3A_27, %mul3A_26 : i32
    "tpu.region"() ({
      %run_scoped3A = tpu.sem_alloc : memref<!tpu.dma_semaphore, #tpu.memory_space<semaphore_mem>>
      %dma_start3A = tpu.memref_slice %arg2[%add3A_28] : memref<98304xf32, #tpu.memory_space<hbm>> -> memref<4096xf32, #tpu.memory_space<hbm>>
      %dma_start3A_45 = tpu.memref_slice %arg2[%add3A_28] : memref<98304xf32, #tpu.memory_space<hbm>> -> memref<4096xf32, #tpu.memory_space<hbm>>
      tpu.enqueue_dma source(%dma_start3A_45 : memref<4096xf32, #tpu.memory_space<hbm>>) target(%arg8 : memref<4096xf32, #tpu.memory_space<vmem>>) target_semaphore(%run_scoped3A : memref<!tpu.dma_semaphore, #tpu.memory_space<semaphore_mem>>)
      %dma_wait3A = tpu.memref_slice %arg2[%add3A_28] : memref<98304xf32, #tpu.memory_space<hbm>> -> memref<4096xf32, #tpu.memory_space<hbm>>
      %dma_wait3A_46 = tpu.memref_slice %arg2[%add3A_28] : memref<98304xf32, #tpu.memory_space<hbm>> -> memref<4096xf32, #tpu.memory_space<hbm>>
      tpu.wait_dma2 semaphore(%run_scoped3A : memref<!tpu.dma_semaphore, #tpu.memory_space<semaphore_mem>>) src(%dma_wait3A_46 : memref<4096xf32, #tpu.memory_space<hbm>>) dst(%arg8 : memref<4096xf32, #tpu.memory_space<vmem>>)
      tpu.yield
    }) : () -> ()
    %scan3A = arith.constant 0 : i32
    %scan3A_29 = arith.constant 0 : i32
    %scan3A_30 = arith.constant 256 : i32
    %scan3A_31 = arith.addi %scan3A_29, %scan3A_30 : i32
    %scan3A_32 = arith.constant 1 : i32
    %scan3A_33 = scf.for %scan3A_45 = %scan3A_29 to %scan3A_31 step %scan3A_32 iter_args(%scan3A_46 = %scan3A) -> (i32)  : i32 {
      %mul3A_47 = arith.constant 16 : i32
      %mul3A_48 = arith.muli %scan3A_45, %mul3A_47 : i32
      %get3A = arith.index_cast %mul3A_48 : i32 to index
      %get3A_49 = tpu.vector_load %arg5[%get3A] {strides = array<i32>} : memref<4096xi32, #tpu.memory_space<vmem>>, vector<16xi32>,
      %mul3A_50 = arith.constant 4096 : i32
      %mul3A_51 = arith.muli %select_n3A, %mul3A_50 : i32
      %sub3A_52 = vector.broadcast %mul3A_51 : i32 to vector<16xi32>
      %sub3A_53 = arith.subi %get3A_49, %sub3A_52 : vector<16xi32>
      %gather3A = tpu.vector_load_idx %arg6[%sub3A_53] : memref<4096xf32, #tpu.memory_space<vmem>>[vector<16xi32>], vector<16xf32>,
      %mul3A_54 = arith.constant 16 : i32
      %mul3A_55 = arith.muli %scan3A_45, %mul3A_54 : i32
      %swap3A = arith.index_cast %mul3A_55 : i32 to index
      %swap3A_56 = tpu.vector_load %arg9[%swap3A] {strides = array<i32>} : memref<4096xf32, #tpu.memory_space<vmem>>, vector<16xf32>,
      tpu.vector_store %arg9[%swap3A], %gather3A {strides = array<i32>} : memref<4096xf32, #tpu.memory_space<vmem>>, vector<16xf32>,
      %gather3A_57 = tpu.vector_load_idx %arg7[%sub3A_53] : memref<4096xf32, #tpu.memory_space<vmem>>[vector<16xi32>], vector<16xf32>,
      %mul3A_58 = arith.constant 16 : i32
      %mul3A_59 = arith.muli %scan3A_45, %mul3A_58 : i32
      %swap3A_60 = arith.index_cast %mul3A_59 : i32 to index
      %swap3A_61 = tpu.vector_load %arg10[%swap3A_60] {strides = array<i32>} : memref<4096xf32, #tpu.memory_space<vmem>>, vector<16xf32>,
      tpu.vector_store %arg10[%swap3A_60], %gather3A_57 {strides = array<i32>} : memref<4096xf32, #tpu.memory_space<vmem>>, vector<16xf32>,
      %gather3A_62 = tpu.vector_load_idx %arg8[%sub3A_53] : memref<4096xf32, #tpu.memory_space<vmem>>[vector<16xi32>], vector<16xf32>,
      %mul3A_63 = arith.constant 16 : i32
      %mul3A_64 = arith.muli %scan3A_45, %mul3A_63 : i32
      %swap3A_65 = arith.index_cast %mul3A_64 : i32 to index
      %swap3A_66 = tpu.vector_load %arg11[%swap3A_65] {strides = array<i32>} : memref<4096xf32, #tpu.memory_space<vmem>>, vector<16xf32>,
      tpu.vector_store %arg11[%swap3A_65], %gather3A_62 {strides = array<i32>} : memref<4096xf32, #tpu.memory_space<vmem>>, vector<16xf32>,
      %scan3A_67 = arith.constant 0 : i32
      scf.yield %scan3A_67 : i32
    }
    %scan3A_34 = arith.constant 256 : i32
    %mul3A_35 = arith.constant 4096 : i32
    %mul3A_36 = arith.muli %add3A, %mul3A_35 : i32
    "tpu.region"() ({
      %run_scoped3A = tpu.sem_alloc : memref<!tpu.dma_semaphore, #tpu.memory_space<semaphore_mem>>
      %dma_start3A = tpu.memref_slice %arg4[%mul3A_36] : memref<393216xf32, #tpu.memory_space<hbm>> -> memref<4096xf32, #tpu.memory_space<hbm>>
      %dma_start3A_45 = tpu.memref_slice %arg4[%mul3A_36] : memref<393216xf32, #tpu.memory_space<hbm>> -> memref<4096xf32, #tpu.memory_space<hbm>>
      tpu.enqueue_dma source(%arg9 : memref<4096xf32, #tpu.memory_space<vmem>>) target(%dma_start3A_45 : memref<4096xf32, #tpu.memory_space<hbm>>) target_semaphore(%run_scoped3A : memref<!tpu.dma_semaphore, #tpu.memory_space<semaphore_mem>>)
      %dma_wait3A = tpu.memref_slice %arg4[%mul3A_36] : memref<393216xf32, #tpu.memory_space<hbm>> -> memref<4096xf32, #tpu.memory_space<hbm>>
      %dma_wait3A_46 = tpu.memref_slice %arg4[%mul3A_36] : memref<393216xf32, #tpu.memory_space<hbm>> -> memref<4096xf32, #tpu.memory_space<hbm>>
      tpu.wait_dma2 semaphore(%run_scoped3A : memref<!tpu.dma_semaphore, #tpu.memory_space<semaphore_mem>>) src(%arg9 : memref<4096xf32, #tpu.memory_space<vmem>>) dst(%dma_wait3A_46 : memref<4096xf32, #tpu.memory_space<hbm>>)
      tpu.yield
    }) : () -> ()
    %mul3A_37 = arith.constant 4096 : i32
    %mul3A_38 = arith.muli %add3A, %mul3A_37 : i32
    %add3A_39 = arith.constant 131072 : i32
    %add3A_40 = arith.addi %add3A_39, %mul3A_38 : i32
    "tpu.region"() ({
      %run_scoped3A = tpu.sem_alloc : memref<!tpu.dma_semaphore, #tpu.memory_space<semaphore_mem>>
      %dma_start3A = tpu.memref_slice %arg4[%add3A_40] : memref<393216xf32, #tpu.memory_space<hbm>> -> memref<4096xf32, #tpu.memory_space<hbm>>
      %dma_start3A_45 = tpu.memref_slice %arg4[%add3A_40] : memref<393216xf32, #tpu.memory_space<hbm>> -> memref<4096xf32, #tpu.memory_space<hbm>>
      tpu.enqueue_dma source(%arg10 : memref<4096xf32, #tpu.memory_space<vmem>>) target(%dma_start3A_45 : memref<4096xf32, #tpu.memory_space<hbm>>) target_semaphore(%run_scoped3A : memref<!tpu.dma_semaphore, #tpu.memory_space<semaphore_mem>>)
      %dma_wait3A = tpu.memref_slice %arg4[%add3A_40] : memref<393216xf32, #tpu.memory_space<hbm>> -> memref<4096xf32, #tpu.memory_space<hbm>>
      %dma_wait3A_46 = tpu.memref_slice %arg4[%add3A_40] : memref<393216xf32, #tpu.memory_space<hbm>> -> memref<4096xf32, #tpu.memory_space<hbm>>
      tpu.wait_dma2 semaphore(%run_scoped3A : memref<!tpu.dma_semaphore, #tpu.memory_space<semaphore_mem>>) src(%arg10 : memref<4096xf32, #tpu.memory_space<vmem>>) dst(%dma_wait3A_46 : memref<4096xf32, #tpu.memory_space<hbm>>)
      tpu.yield
    }) : () -> ()
    %mul3A_41 = arith.constant 4096 : i32
    %mul3A_42 = arith.muli %add3A, %mul3A_41 : i32
    %add3A_43 = arith.constant 262144 : i32
    %add3A_44 = arith.addi %add3A_43, %mul3A_42 : i32
    "tpu.region"() ({
      %run_scoped3A = tpu.sem_alloc : memref<!tpu.dma_semaphore, #tpu.memory_space<semaphore_mem>>
      %dma_start3A = tpu.memref_slice %arg4[%add3A_44] : memref<393216xf32, #tpu.memory_space<hbm>> -> memref<4096xf32, #tpu.memory_space<hbm>>
      %dma_start3A_45 = tpu.memref_slice %arg4[%add3A_44] : memref<393216xf32, #tpu.memory_space<hbm>> -> memref<4096xf32, #tpu.memory_space<hbm>>
      tpu.enqueue_dma source(%arg11 : memref<4096xf32, #tpu.memory_space<vmem>>) target(%dma_start3A_45 : memref<4096xf32, #tpu.memory_space<hbm>>) target_semaphore(%run_scoped3A : memref<!tpu.dma_semaphore, #tpu.memory_space<semaphore_mem>>)
      %dma_wait3A = tpu.memref_slice %arg4[%add3A_44] : memref<393216xf32, #tpu.memory_space<hbm>> -> memref<4096xf32, #tpu.memory_space<hbm>>
      %dma_wait3A_46 = tpu.memref_slice %arg4[%add3A_44] : memref<393216xf32, #tpu.memory_space<hbm>> -> memref<4096xf32, #tpu.memory_space<hbm>>
      tpu.wait_dma2 semaphore(%run_scoped3A : memref<!tpu.dma_semaphore, #tpu.memory_space<semaphore_mem>>) src(%arg11 : memref<4096xf32, #tpu.memory_space<vmem>>) dst(%dma_wait3A_46 : memref<4096xf32, #tpu.memory_space<hbm>>)
      tpu.yield
    }) : () -> ()
    return
  }
}

module attributes {stable_mosaic.version = 14 : i64} {
  func.func @_fps_body(%arg0: memref<3x8x4096xf32, #tpu.memory_space<vmem>>, %arg1: memref<8x1xi32, #tpu.memory_space<vmem>>, %arg2: memref<3x8x512xf32, #tpu.memory_space<vmem>>, %arg3: memref<8x4096xf32, #tpu.memory_space<vmem>>) attributes {dimension_semantics = [], scalar_prefetch = 0 : i64, scratch_operands = 1 : i64, tpu.core_type = #tpu.core_type<tc>} {
    %broadcast_in_dim3A = arith.constant 1.000000e+10 : f32
    %broadcast_in_dim3A_0 = vector.broadcast %broadcast_in_dim3A : f32 to vector<8x4096xf32>
    %swap3A = arith.constant 0 : index
    %swap3A_1 = arith.constant 0 : index
    %swap3A_2 = vector.load %arg3[%swap3A, %swap3A_1] : memref<8x4096xf32, #tpu.memory_space<vmem>>, vector<8x4096xf32>
    tpu.vector_store %arg3[%swap3A, %swap3A_1], %broadcast_in_dim3A_0 {strides = array<i32>} : memref<8x4096xf32, #tpu.memory_space<vmem>>, vector<8x4096xf32>,
    %iota3A = tpu.iota {dimensions = array<i32: 1>} : vector<8x4096xi32>
    %iota3A_3 = tpu.iota {dimensions = array<i32: 1>} : vector<8x512xi32>
    %get3A = arith.constant 0 : index
    %get3A_4 = arith.constant 0 : index
    %get3A_5 = arith.constant 0 : index
    %get3A_6 = vector.load %arg0[%get3A, %get3A_4, %get3A_5] : memref<3x8x4096xf32, #tpu.memory_space<vmem>>, vector<3x8x4096xf32>
    %get3A_7 = arith.constant 0 : index
    %get3A_8 = arith.constant 0 : index
    %get3A_9 = vector.load %arg1[%get3A_7, %get3A_8] : memref<8x1xi32, #tpu.memory_space<vmem>>, vector<8x1xi32>
    %scan3A = arith.constant 0 : i32
    %scan3A_10 = arith.constant 512 : i32
    %scan3A_11 = arith.addi %scan3A, %scan3A_10 : i32
    %scan3A_12 = arith.constant 1 : i32
    %scan3A_13 = scf.for %scan3A_15 = %scan3A to %scan3A_11 step %scan3A_12 iter_args(%scan3A_16 = %get3A_9) -> (vector<8x1xi32>)  : i32 {
      %eq3A = vector.broadcast %scan3A_16 : vector<8x1xi32> to vector<8x4096xi32>
      %eq3A_17 = arith.cmpi eq, %iota3A, %eq3A : vector<8x4096xi32>
      %convert_element_type3A = arith.extui %eq3A_17 : vector<8x4096xi1> to vector<8x4096xi32>
      %convert_element_type3A_18 = arith.sitofp %convert_element_type3A : vector<8x4096xi32> to vector<8x4096xf32>
      %broadcast_in_dim3A_19 = vector.shape_cast %convert_element_type3A_18 : vector<8x4096xf32> to vector<1x8x4096xf32>
      %mul3A = vector.broadcast %broadcast_in_dim3A_19 : vector<1x8x4096xf32> to vector<3x8x4096xf32>
      %mul3A_20 = arith.mulf %get3A_6, %mul3A : vector<3x8x4096xf32>
      %reduce_sum3A = arith.constant dense<0.000000e+00> : vector<3x8xf32>
      %reduce_sum3A_21 = vector.multi_reduction <add>, %mul3A_20, %reduce_sum3A [2] : vector<3x8x4096xf32> to vector<3x8xf32>
      %broadcast_in_dim3A_22 = vector.shape_cast %reduce_sum3A_21 : vector<3x8xf32> to vector<3x8x1xf32>
      %eq3A_23 = vector.broadcast %scan3A_15 : i32 to vector<8x512xi32>
      %eq3A_24 = arith.cmpi eq, %iota3A_3, %eq3A_23 : vector<8x512xi32>
      %broadcast_in_dim3A_25 = vector.shape_cast %eq3A_24 : vector<8x512xi1> to vector<1x8x512xi1>
      %get3A_26 = arith.constant 0 : index
      %get3A_27 = arith.constant 0 : index
      %get3A_28 = arith.constant 0 : index
      %get3A_29 = vector.load %arg2[%get3A_26, %get3A_27, %get3A_28] : memref<3x8x512xf32, #tpu.memory_space<vmem>>, vector<3x8x512xf32>
      %broadcast_in_dim3A_30 = vector.shape_cast %broadcast_in_dim3A_25 : vector<1x8x512xi1> to vector<1x8x512xi1>
      %broadcast_in_dim3A_31 = vector.broadcast %broadcast_in_dim3A_30 : vector<1x8x512xi1> to vector<3x8x512xi1>
      %broadcast_in_dim3A_32 = vector.shape_cast %broadcast_in_dim3A_22 : vector<3x8x1xf32> to vector<3x8x1xf32>
      %broadcast_in_dim3A_33 = vector.broadcast %broadcast_in_dim3A_32 : vector<3x8x1xf32> to vector<3x8x512xf32>
      %select_n3A = arith.select %broadcast_in_dim3A_31, %broadcast_in_dim3A_33, %get3A_29 : vector<3x8x512xi1>, vector<3x8x512xf32>
      %swap3A_34 = arith.constant 0 : index
      %swap3A_35 = arith.constant 0 : index
      %swap3A_36 = arith.constant 0 : index
      %swap3A_37 = vector.load %arg2[%swap3A_34, %swap3A_35, %swap3A_36] : memref<3x8x512xf32, #tpu.memory_space<vmem>>, vector<3x8x512xf32>
      tpu.vector_store %arg2[%swap3A_34, %swap3A_35, %swap3A_36], %select_n3A {strides = array<i32>} : memref<3x8x512xf32, #tpu.memory_space<vmem>>, vector<3x8x512xf32>,
      %sub3A = vector.broadcast %broadcast_in_dim3A_22 : vector<3x8x1xf32> to vector<3x8x4096xf32>
      %sub3A_38 = arith.subf %get3A_6, %sub3A : vector<3x8x4096xf32>
      %integer_pow3A = arith.mulf %sub3A_38, %sub3A_38 : vector<3x8x4096xf32>
      %slice3A = vector.extract_strided_slice %integer_pow3A {offsets = [0, 0, 0], sizes = [1, 8, 4096], strides = [1, 1, 1]} : vector<3x8x4096xf32> to vector<1x8x4096xf32>
      %squeeze3A = vector.shape_cast %slice3A : vector<1x8x4096xf32> to vector<8x4096xf32>
      %slice3A_39 = vector.extract_strided_slice %integer_pow3A {offsets = [1, 0, 0], sizes = [1, 8, 4096], strides = [1, 1, 1]} : vector<3x8x4096xf32> to vector<1x8x4096xf32>
      %squeeze3A_40 = vector.shape_cast %slice3A_39 : vector<1x8x4096xf32> to vector<8x4096xf32>
      %add3A = arith.addf %squeeze3A, %squeeze3A_40 : vector<8x4096xf32>
      %slice3A_41 = vector.extract_strided_slice %integer_pow3A {offsets = [2, 0, 0], sizes = [1, 8, 4096], strides = [1, 1, 1]} : vector<3x8x4096xf32> to vector<1x8x4096xf32>
      %squeeze3A_42 = vector.shape_cast %slice3A_41 : vector<1x8x4096xf32> to vector<8x4096xf32>
      %add3A_43 = arith.addf %add3A, %squeeze3A_42 : vector<8x4096xf32>
      %get3A_44 = arith.constant 0 : index
      %get3A_45 = arith.constant 0 : index
      %get3A_46 = vector.load %arg3[%get3A_44, %get3A_45] : memref<8x4096xf32, #tpu.memory_space<vmem>>, vector<8x4096xf32>
      %min3A = arith.minimumf %get3A_46, %add3A_43 : vector<8x4096xf32>
      %swap3A_47 = arith.constant 0 : index
      %swap3A_48 = arith.constant 0 : index
      %swap3A_49 = vector.load %arg3[%swap3A_47, %swap3A_48] : memref<8x4096xf32, #tpu.memory_space<vmem>>, vector<8x4096xf32>
      tpu.vector_store %arg3[%swap3A_47, %swap3A_48], %min3A {strides = array<i32>} : memref<8x4096xf32, #tpu.memory_space<vmem>>, vector<8x4096xf32>,
      %reduce_max3A = arith.constant dense<0xFF800000> : vector<8xf32>
      %reduce_max3A_50 = vector.multi_reduction <maximumf>, %min3A, %reduce_max3A [1] : vector<8x4096xf32> to vector<8xf32>
      %broadcast_in_dim3A_51 = vector.shape_cast %reduce_max3A_50 : vector<8xf32> to vector<8x1xf32>
      %eq3A_52 = vector.broadcast %broadcast_in_dim3A_51 : vector<8x1xf32> to vector<8x4096xf32>
      %eq3A_53 = arith.cmpf oeq, %min3A, %eq3A_52 : vector<8x4096xf32>
      %jit3A = arith.constant 4096 : i32
      %broadcast_in_dim3A_54 = vector.broadcast %jit3A : i32 to vector<8x4096xi32>
      %select_n3A_55 = arith.select %eq3A_53, %iota3A, %broadcast_in_dim3A_54 : vector<8x4096xi1>, vector<8x4096xi32>
      %reduce_min3A = arith.constant dense<2147483647> : vector<8xi32>
      %reduce_min3A_56 = vector.multi_reduction <minsi>, %select_n3A_55, %reduce_min3A [1] : vector<8x4096xi32> to vector<8xi32>
      %broadcast_in_dim3A_57 = vector.shape_cast %reduce_min3A_56 : vector<8xi32> to vector<8x1xi32>
      scf.yield %broadcast_in_dim3A_57 : vector<8x1xi32>
    }
    %scan3A_14 = arith.constant 512 : i32
    return
  }
}

module attributes {stable_mosaic.version = 14 : i64} {
  func.func @_knn_body(%arg0: i32, %arg1: memref<1x512x4xf32, #tpu.memory_space<vmem>>, %arg2: memref<1x4x4096xf32, #tpu.memory_space<vmem>>, %arg3: memref<1x512x32xi32, #tpu.memory_space<vmem>>, %arg4: memref<512x4096xf32, #tpu.memory_space<vmem>>) attributes {dimension_semantics = [#tpu.dimension_semantics<arbitrary>], iteration_bounds = array<i64: 8>, scalar_prefetch = 0 : i64, scratch_operands = 1 : i64, tpu.core_type = #tpu.core_type<tc>, window_params = [{transform_indices = @transform_0, window_bounds = array<i64: 1, 512, 4>}, {transform_indices = @transform_1, window_bounds = array<i64: 1, 4, 4096>}, {transform_indices = @transform_2, window_bounds = array<i64: 1, 512, 32>}]} {
    %get3A = arith.constant 0 : index
    %get3A_0 = arith.constant 0 : index
    %get3A_1 = arith.constant 0 : index
    %get3A_2 = vector.load %arg1[%get3A, %get3A_0, %get3A_1] : memref<1x512x4xf32, #tpu.memory_space<vmem>>, vector<1x512x4xf32>
    %get3A_3 = vector.shape_cast %get3A_2 : vector<1x512x4xf32> to vector<512x4xf32>
    %get3A_4 = arith.constant 0 : index
    %get3A_5 = arith.constant 0 : index
    %get3A_6 = arith.constant 0 : index
    %get3A_7 = vector.load %arg2[%get3A_4, %get3A_5, %get3A_6] : memref<1x4x4096xf32, #tpu.memory_space<vmem>>, vector<1x4x4096xf32>
    %get3A_8 = vector.shape_cast %get3A_7 : vector<1x4x4096xf32> to vector<4x4096xf32>
    %dot_general3A = arith.constant dense<0.000000e+00> : vector<512x4096xf32>
    %dot_general3A_9 = tpu.matmul %get3A_3, %get3A_8, %dot_general3A {dimension_numbers = #tpu.dot_dimension_numbers<[1], [0], [0], [1], [0, 0, 1, 1], [], []>, transpose_lhs_hint = false} : vector<512x4xf32>, vector<4x4096xf32>, vector<512x4096xf32> -> vector<512x4096xf32>
    %mul3A = arith.mulf %get3A_3, %get3A_3 : vector<512x4xf32>
    %reduce_sum3A = arith.constant dense<0.000000e+00> : vector<512xf32>
    %reduce_sum3A_10 = vector.multi_reduction <add>, %mul3A, %reduce_sum3A [1] : vector<512x4xf32> to vector<512xf32>
    %broadcast_in_dim3A = vector.shape_cast %reduce_sum3A_10 : vector<512xf32> to vector<512x1xf32>
    %mul3A_11 = arith.mulf %get3A_8, %get3A_8 : vector<4x4096xf32>
    %reduce_sum3A_12 = arith.constant dense<0.000000e+00> : vector<4096xf32>
    %reduce_sum3A_13 = vector.multi_reduction <add>, %mul3A_11, %reduce_sum3A_12 [0] : vector<4x4096xf32> to vector<4096xf32>
    %broadcast_in_dim3A_14 = vector.shape_cast %reduce_sum3A_13 : vector<4096xf32> to vector<1x4096xf32>
    %mul3A_15 = arith.constant -2.000000e+00 : f32
    %mul3A_16 = vector.broadcast %mul3A_15 : f32 to vector<512x4096xf32>
    %mul3A_17 = arith.mulf %mul3A_16, %dot_general3A_9 : vector<512x4096xf32>
    %add3A = vector.broadcast %broadcast_in_dim3A : vector<512x1xf32> to vector<512x4096xf32>
    %add3A_18 = arith.addf %mul3A_17, %add3A : vector<512x4096xf32>
    %add3A_19 = vector.broadcast %broadcast_in_dim3A_14 : vector<1x4096xf32> to vector<512x4096xf32>
    %add3A_20 = arith.addf %add3A_18, %add3A_19 : vector<512x4096xf32>
    %swap3A = arith.constant 0 : index
    %swap3A_21 = arith.constant 0 : index
    %swap3A_22 = vector.load %arg4[%swap3A, %swap3A_21] : memref<512x4096xf32, #tpu.memory_space<vmem>>, vector<512x4096xf32>
    tpu.vector_store %arg4[%swap3A, %swap3A_21], %add3A_20 {strides = array<i32>} : memref<512x4096xf32, #tpu.memory_space<vmem>>, vector<512x4096xf32>,
    %iota3A = tpu.iota {dimensions = array<i32: 1>} : vector<512x4096xi32>
    %iota3A_23 = tpu.iota {dimensions = array<i32: 1>} : vector<512x32xi32>
    %broadcast_in_dim3A_24 = arith.constant 0 : i32
    %broadcast_in_dim3A_25 = vector.broadcast %broadcast_in_dim3A_24 : i32 to vector<512x32xi32>
    %scan3A = arith.constant 0 : i32
    %scan3A_26 = arith.constant 32 : i32
    %scan3A_27 = arith.addi %scan3A, %scan3A_26 : i32
    %scan3A_28 = arith.constant 1 : i32
    %scan3A_29 = scf.for %scan3A_41 = %scan3A to %scan3A_27 step %scan3A_28 iter_args(%scan3A_42 = %broadcast_in_dim3A_25) -> (vector<512x32xi32>)  : i32 {
      %get3A_43 = arith.constant 0 : index
      %get3A_44 = arith.constant 0 : index
      %get3A_45 = vector.load %arg4[%get3A_43, %get3A_44] : memref<512x4096xf32, #tpu.memory_space<vmem>>, vector<512x4096xf32>
      %reduce_min3A = arith.constant dense<0x7F800000> : vector<512xf32>
      %reduce_min3A_46 = vector.multi_reduction <minimumf>, %get3A_45, %reduce_min3A [1] : vector<512x4096xf32> to vector<512xf32>
      %broadcast_in_dim3A_47 = vector.shape_cast %reduce_min3A_46 : vector<512xf32> to vector<512x1xf32>
      %eq3A = vector.broadcast %broadcast_in_dim3A_47 : vector<512x1xf32> to vector<512x4096xf32>
      %eq3A_48 = arith.cmpf oeq, %get3A_45, %eq3A : vector<512x4096xf32>
      %jit3A = arith.constant 4096 : i32
      %broadcast_in_dim3A_49 = vector.broadcast %jit3A : i32 to vector<512x4096xi32>
      %select_n3A = arith.select %eq3A_48, %iota3A, %broadcast_in_dim3A_49 : vector<512x4096xi1>, vector<512x4096xi32>
      %reduce_min3A_50 = arith.constant dense<2147483647> : vector<512xi32>
      %reduce_min3A_51 = vector.multi_reduction <minsi>, %select_n3A, %reduce_min3A_50 [1] : vector<512x4096xi32> to vector<512xi32>
      %broadcast_in_dim3A_52 = vector.shape_cast %reduce_min3A_51 : vector<512xi32> to vector<512x1xi32>
      %eq3A_53 = vector.broadcast %broadcast_in_dim3A_52 : vector<512x1xi32> to vector<512x4096xi32>
      %eq3A_54 = arith.cmpi eq, %iota3A, %eq3A_53 : vector<512x4096xi32>
      %jit3A_55 = arith.constant 0x7F800000 : f32
      %broadcast_in_dim3A_56 = vector.broadcast %jit3A_55 : f32 to vector<512x4096xf32>
      %select_n3A_57 = arith.select %eq3A_54, %broadcast_in_dim3A_56, %get3A_45 : vector<512x4096xi1>, vector<512x4096xf32>
      %swap3A_58 = arith.constant 0 : index
      %swap3A_59 = arith.constant 0 : index
      %swap3A_60 = vector.load %arg4[%swap3A_58, %swap3A_59] : memref<512x4096xf32, #tpu.memory_space<vmem>>, vector<512x4096xf32>
      tpu.vector_store %arg4[%swap3A_58, %swap3A_59], %select_n3A_57 {strides = array<i32>} : memref<512x4096xf32, #tpu.memory_space<vmem>>, vector<512x4096xf32>,
      %eq3A_61 = vector.broadcast %scan3A_41 : i32 to vector<512x32xi32>
      %eq3A_62 = arith.cmpi eq, %iota3A_23, %eq3A_61 : vector<512x32xi32>
      %broadcast_in_dim3A_63 = vector.shape_cast %broadcast_in_dim3A_52 : vector<512x1xi32> to vector<512x1xi32>
      %broadcast_in_dim3A_64 = vector.broadcast %broadcast_in_dim3A_63 : vector<512x1xi32> to vector<512x32xi32>
      %select_n3A_65 = arith.select %eq3A_62, %broadcast_in_dim3A_64, %scan3A_42 : vector<512x32xi1>, vector<512x32xi32>
      scf.yield %select_n3A_65 : vector<512x32xi32>
    }
    %scan3A_30 = arith.constant 32 : i32
    %mul3A_31 = arith.constant 4096 : i32
    %mul3A_32 = arith.muli %arg0, %mul3A_31 : i32
    %add3A_33 = vector.broadcast %mul3A_32 : i32 to vector<512x32xi32>
    %add3A_34 = arith.addi %scan3A_29, %add3A_33 : vector<512x32xi32>
    %swap3A_35 = arith.constant 0 : index
    %swap3A_36 = arith.constant 0 : index
    %swap3A_37 = arith.constant 0 : index
    %swap3A_38 = vector.load %arg3[%swap3A_35, %swap3A_36, %swap3A_37] : memref<1x512x32xi32, #tpu.memory_space<vmem>>, vector<1x512x32xi32>
    %swap3A_39 = vector.shape_cast %swap3A_38 : vector<1x512x32xi32> to vector<512x32xi32>
    %swap3A_40 = vector.shape_cast %add3A_34 : vector<512x32xi32> to vector<1x512x32xi32>
    tpu.vector_store %arg3[%swap3A_35, %swap3A_36, %swap3A_37], %swap3A_40 {strides = array<i32>} : memref<1x512x32xi32, #tpu.memory_space<vmem>>, vector<1x512x32xi32>,
    return
  }
  func.func @transform_0(%arg0: i32) -> (i32, i32, i32) {
    %c0_i32 = arith.constant 0 : i32
    %c0_i32_0 = arith.constant 0 : i32
    %c0_i32_1 = arith.constant 0 : i32
    return %arg0, %c0_i32, %c0_i32_0 : i32, i32, i32
  }
  func.func @transform_1(%arg0: i32) -> (i32, i32, i32) {
    %c0_i32 = arith.constant 0 : i32
    %c0_i32_0 = arith.constant 0 : i32
    %c0_i32_1 = arith.constant 0 : i32
    return %arg0, %c0_i32, %c0_i32_0 : i32, i32, i32
  }
  func.func @transform_2(%arg0: i32) -> (i32, i32, i32) {
    %c0_i32 = arith.constant 0 : i32
    %c0_i32_0 = arith.constant 0 : i32
    %c0_i32_1 = arith.constant 0 : i32
    return %arg0, %c0_i32, %c0_i32_0 : i32, i32, i32
  }
}

module attributes {stable_mosaic.version = 14 : i64} {
  func.func @_l1_body(%arg0: i32, %arg1: memref<3x4096xf32, #tpu.memory_space<vmem>>, %arg2: memref<3x128xf32, #tpu.memory_space<vmem>>, %arg3: memref<64x3xf32, #tpu.memory_space<vmem>>, %arg4: memref<1x64xf32, #tpu.memory_space<vmem>>, %arg5: memref<4096x64xbf16, #tpu.memory_space<vmem>>, %arg6: memref<2x64xf32, #tpu.memory_space<vmem>>) attributes {dimension_semantics = [#tpu.dimension_semantics<arbitrary>], iteration_bounds = array<i64: 32>, scalar_prefetch = 0 : i64, scratch_operands = 0 : i64, tpu.core_type = #tpu.core_type<tc>, window_params = [{transform_indices = @transform_0, window_bounds = array<i64: 3, 4096>}, {transform_indices = @transform_1, window_bounds = array<i64: 3, 128>}, {pipeline_mode = #tpu.pipeline_mode<synchronous>, transform_indices = @transform_2, window_bounds = array<i64: 64, 3>}, {pipeline_mode = #tpu.pipeline_mode<synchronous>, transform_indices = @transform_3, window_bounds = array<i64: 1, 64>}, {transform_indices = @transform_4, window_bounds = array<i64: 4096, 64>}, {pipeline_mode = #tpu.pipeline_mode<synchronous>, transform_indices = @transform_5, window_bounds = array<i64: 2, 64>}]} {
    %get3A = arith.constant 0 : index
    %get3A_0 = arith.constant 0 : index
    %get3A_1 = vector.load %arg1[%get3A, %get3A_0] : memref<3x4096xf32, #tpu.memory_space<vmem>>, vector<3x4096xf32>
    %get3A_2 = arith.constant 0 : index
    %get3A_3 = arith.constant 0 : index
    %get3A_4 = vector.load %arg2[%get3A_2, %get3A_3] : memref<3x128xf32, #tpu.memory_space<vmem>>, vector<3x128xf32>
    %broadcast_in_dim3A = vector.shape_cast %get3A_4 : vector<3x128xf32> to vector<3x128x1xf32>
    %broadcast_in_dim3A_5 = vector.shape_cast %broadcast_in_dim3A : vector<3x128x1xf32> to vector<3x128x1xf32>
    %broadcast_in_dim3A_6 = vector.broadcast %broadcast_in_dim3A_5 : vector<3x128x1xf32> to vector<3x128x32xf32>
    %reshape3A = vector.shape_cast %broadcast_in_dim3A_6 : vector<3x128x32xf32> to vector<3x4096xf32>
    %sub3A = arith.subf %get3A_1, %reshape3A : vector<3x4096xf32>
    %get3A_7 = arith.constant 0 : index
    %get3A_8 = arith.constant 0 : index
    %get3A_9 = vector.load %arg3[%get3A_7, %get3A_8] : memref<64x3xf32, #tpu.memory_space<vmem>>, vector<64x3xf32>
    %dot_general3A = arith.constant dense<0.000000e+00> : vector<4096x64xf32>
    %dot_general3A_10 = tpu.matmul %sub3A, %get3A_9, %dot_general3A {dimension_numbers = #tpu.dot_dimension_numbers<[0], [1], [1], [0], [0, 1, 1, 0], [], []>, transpose_lhs_hint = false} : vector<3x4096xf32>, vector<64x3xf32>, vector<4096x64xf32> -> vector<4096x64xf32>
    %get3A_11 = arith.constant 0 : index
    %get3A_12 = arith.constant 0 : index
    %get3A_13 = vector.load %arg4[%get3A_11, %get3A_12] : memref<1x64xf32, #tpu.memory_space<vmem>>, vector<1x64xf32>
    %add3A = vector.broadcast %get3A_13 : vector<1x64xf32> to vector<4096x64xf32>
    %add3A_14 = arith.addf %dot_general3A_10, %add3A : vector<4096x64xf32>
    %convert_element_type3A = arith.truncf %add3A_14 : vector<4096x64xf32> to vector<4096x64xbf16>
    %swap3A = arith.constant 0 : index
    %swap3A_15 = arith.constant 0 : index
    %swap3A_16 = vector.load %arg5[%swap3A, %swap3A_15] : memref<4096x64xbf16, #tpu.memory_space<vmem>>, vector<4096x64xbf16>
    tpu.vector_store %arg5[%swap3A, %swap3A_15], %convert_element_type3A {strides = array<i32>} : memref<4096x64xbf16, #tpu.memory_space<vmem>>, vector<4096x64xbf16>,
    %reduce_sum3A = arith.constant dense<0.000000e+00> : vector<64xf32>
    %reduce_sum3A_17 = vector.multi_reduction <add>, %add3A_14, %reduce_sum3A [0] : vector<4096x64xf32> to vector<64xf32>
    %broadcast_in_dim3A_18 = vector.shape_cast %reduce_sum3A_17 : vector<64xf32> to vector<1x64xf32>
    %mul3A = arith.mulf %add3A_14, %add3A_14 : vector<4096x64xf32>
    %reduce_sum3A_19 = arith.constant dense<0.000000e+00> : vector<64xf32>
    %reduce_sum3A_20 = vector.multi_reduction <add>, %mul3A, %reduce_sum3A_19 [0] : vector<4096x64xf32> to vector<64xf32>
    %broadcast_in_dim3A_21 = vector.shape_cast %reduce_sum3A_20 : vector<64xf32> to vector<1x64xf32>
    %concatenate3A = tpu.concatenate %broadcast_in_dim3A_18, %broadcast_in_dim3A_21 in 0 : vector<1x64xf32>, vector<1x64xf32> -> vector<2x64xf32>
    %eq3A = arith.constant 0 : i32
    %eq3A_22 = arith.cmpi eq, %arg0, %eq3A : i32
    %convert_element_type3A_23 = arith.extui %eq3A_22 : i1 to i32
    %cond3A = arith.constant 0 : i32
    %cond3A_24 = arith.cmpi ne, %convert_element_type3A_23, %cond3A : i32
    scf.if %cond3A_24 {
      %swap3A_29 = arith.constant 0 : index
      %swap3A_30 = arith.constant 0 : index
      %swap3A_31 = vector.load %arg6[%swap3A_29, %swap3A_30] : memref<2x64xf32, #tpu.memory_space<vmem>>, vector<2x64xf32>
      tpu.vector_store %arg6[%swap3A_29, %swap3A_30], %concatenate3A {strides = array<i32>} : memref<2x64xf32, #tpu.memory_space<vmem>>, vector<2x64xf32>,
    } else {
    }
    %ne3A = arith.constant 0 : i32
    %ne3A_25 = arith.cmpi ne, %arg0, %ne3A : i32
    %convert_element_type3A_26 = arith.extui %ne3A_25 : i1 to i32
    %cond3A_27 = arith.constant 0 : i32
    %cond3A_28 = arith.cmpi ne, %convert_element_type3A_26, %cond3A_27 : i32
    scf.if %cond3A_28 {
      %get3A_29 = arith.constant 0 : index
      %get3A_30 = arith.constant 0 : index
      %get3A_31 = vector.load %arg6[%get3A_29, %get3A_30] : memref<2x64xf32, #tpu.memory_space<vmem>>, vector<2x64xf32>
      %add3A_32 = arith.addf %get3A_31, %concatenate3A : vector<2x64xf32>
      %swap3A_33 = arith.constant 0 : index
      %swap3A_34 = arith.constant 0 : index
      %swap3A_35 = vector.load %arg6[%swap3A_33, %swap3A_34] : memref<2x64xf32, #tpu.memory_space<vmem>>, vector<2x64xf32>
      tpu.vector_store %arg6[%swap3A_33, %swap3A_34], %add3A_32 {strides = array<i32>} : memref<2x64xf32, #tpu.memory_space<vmem>>, vector<2x64xf32>,
    } else {
    }
    return
  }
  func.func @transform_0(%arg0: i32) -> (i32, i32) {
    %c0_i32 = arith.constant 0 : i32
    %c0_i32_0 = arith.constant 0 : i32
    return %c0_i32, %arg0 : i32, i32
  }
  func.func @transform_1(%arg0: i32) -> (i32, i32) {
    %c0_i32 = arith.constant 0 : i32
    %c0_i32_0 = arith.constant 0 : i32
    return %c0_i32, %arg0 : i32, i32
  }
  func.func @transform_2(%arg0: i32) -> (i32, i32) {
    %c0_i32 = arith.constant 0 : i32
    %c0_i32_0 = arith.constant 0 : i32
    %c0_i32_1 = arith.constant 0 : i32
    return %c0_i32, %c0_i32_0 : i32, i32
  }
  func.func @transform_3(%arg0: i32) -> (i32, i32) {
    %c0_i32 = arith.constant 0 : i32
    %c0_i32_0 = arith.constant 0 : i32
    %c0_i32_1 = arith.constant 0 : i32
    return %c0_i32, %c0_i32_0 : i32, i32
  }
  func.func @transform_4(%arg0: i32) -> (i32, i32) {
    %c0_i32 = arith.constant 0 : i32
    %c0_i32_0 = arith.constant 0 : i32
    return %arg0, %c0_i32 : i32, i32
  }
  func.func @transform_5(%arg0: i32) -> (i32, i32) {
    %c0_i32 = arith.constant 0 : i32
    %c0_i32_0 = arith.constant 0 : i32
    %c0_i32_1 = arith.constant 0 : i32
    return %c0_i32, %c0_i32_0 : i32, i32
  }
}

module attributes {stable_mosaic.version = 14 : i64} {
  func.func @_mid_body(%arg0: i32, %arg1: memref<4096x64xbf16, #tpu.memory_space<vmem>>, %arg2: memref<2x64xf32, #tpu.memory_space<vmem>>, %arg3: memref<1x64xf32, #tpu.memory_space<vmem>>, %arg4: memref<1x64xf32, #tpu.memory_space<vmem>>, %arg5: memref<128x64xf32, #tpu.memory_space<vmem>>, %arg6: memref<1x128xf32, #tpu.memory_space<vmem>>, %arg7: memref<4096x128xbf16, #tpu.memory_space<vmem>>, %arg8: memref<2x128xf32, #tpu.memory_space<vmem>>) attributes {dimension_semantics = [#tpu.dimension_semantics<arbitrary>], iteration_bounds = array<i64: 32>, scalar_prefetch = 0 : i64, scratch_operands = 0 : i64, tpu.core_type = #tpu.core_type<tc>, window_params = [{transform_indices = @transform_0, window_bounds = array<i64: 4096, 64>}, {pipeline_mode = #tpu.pipeline_mode<synchronous>, transform_indices = @transform_1, window_bounds = array<i64: 2, 64>}, {pipeline_mode = #tpu.pipeline_mode<synchronous>, transform_indices = @transform_2, window_bounds = array<i64: 1, 64>}, {pipeline_mode = #tpu.pipeline_mode<synchronous>, transform_indices = @transform_3, window_bounds = array<i64: 1, 64>}, {pipeline_mode = #tpu.pipeline_mode<synchronous>, transform_indices = @transform_4, window_bounds = array<i64: 128, 64>}, {pipeline_mode = #tpu.pipeline_mode<synchronous>, transform_indices = @transform_5, window_bounds = array<i64: 1, 128>}, {transform_indices = @transform_6, window_bounds = array<i64: 4096, 128>}, {pipeline_mode = #tpu.pipeline_mode<synchronous>, transform_indices = @transform_7, window_bounds = array<i64: 2, 128>}]} {
    %get3A = arith.constant 0 : index
    %get3A_0 = arith.constant 0 : index
    %get3A_1 = vector.load %arg2[%get3A, %get3A_0] : memref<2x64xf32, #tpu.memory_space<vmem>>, vector<1x64xf32>
    %mul3A = arith.constant 7.62939453E-6 : f32
    %mul3A_2 = vector.broadcast %mul3A : f32 to vector<1x64xf32>
    %mul3A_3 = arith.mulf %get3A_1, %mul3A_2 : vector<1x64xf32>
    %get3A_4 = arith.constant 1 : index
    %get3A_5 = arith.constant 0 : index
    %get3A_6 = vector.load %arg2[%get3A_4, %get3A_5] : memref<2x64xf32, #tpu.memory_space<vmem>>, vector<1x64xf32>
    %mul3A_7 = arith.constant 7.62939453E-6 : f32
    %mul3A_8 = vector.broadcast %mul3A_7 : f32 to vector<1x64xf32>
    %mul3A_9 = arith.mulf %get3A_6, %mul3A_8 : vector<1x64xf32>
    %mul3A_10 = arith.mulf %mul3A_3, %mul3A_3 : vector<1x64xf32>
    %sub3A = arith.subf %mul3A_9, %mul3A_10 : vector<1x64xf32>
    %get3A_11 = arith.constant 0 : index
    %get3A_12 = arith.constant 0 : index
    %get3A_13 = vector.load %arg3[%get3A_11, %get3A_12] : memref<1x64xf32, #tpu.memory_space<vmem>>, vector<1x64xf32>
    %add3A = arith.constant 9.99999974E-6 : f32
    %add3A_14 = vector.broadcast %add3A : f32 to vector<1x64xf32>
    %add3A_15 = arith.addf %sub3A, %add3A_14 : vector<1x64xf32>
    %sqrt3A = math.sqrt %add3A_15 : vector<1x64xf32>
    %div3A = arith.divf %get3A_13, %sqrt3A : vector<1x64xf32>
    %get3A_16 = arith.constant 0 : index
    %get3A_17 = arith.constant 0 : index
    %get3A_18 = vector.load %arg4[%get3A_16, %get3A_17] : memref<1x64xf32, #tpu.memory_space<vmem>>, vector<1x64xf32>
    %mul3A_19 = arith.mulf %mul3A_3, %div3A : vector<1x64xf32>
    %sub3A_20 = arith.subf %get3A_18, %mul3A_19 : vector<1x64xf32>
    %get3A_21 = arith.constant 0 : index
    %get3A_22 = arith.constant 0 : index
    %get3A_23 = vector.load %arg1[%get3A_21, %get3A_22] : memref<4096x64xbf16, #tpu.memory_space<vmem>>, vector<4096x64xbf16>
    %convert_element_type3A = arith.extf %get3A_23 : vector<4096x64xbf16> to vector<4096x64xf32>
    %mul3A_24 = vector.broadcast %div3A : vector<1x64xf32> to vector<4096x64xf32>
    %mul3A_25 = arith.mulf %convert_element_type3A, %mul3A_24 : vector<4096x64xf32>
    %add3A_26 = vector.broadcast %sub3A_20 : vector<1x64xf32> to vector<4096x64xf32>
    %add3A_27 = arith.addf %mul3A_25, %add3A_26 : vector<4096x64xf32>
    %max3A = arith.constant 0.000000e+00 : f32
    %max3A_28 = vector.broadcast %max3A : f32 to vector<4096x64xf32>
    %max3A_29 = arith.maximumf %add3A_27, %max3A_28 : vector<4096x64xf32>
    %get3A_30 = arith.constant 0 : index
    %get3A_31 = arith.constant 0 : index
    %get3A_32 = vector.load %arg5[%get3A_30, %get3A_31] : memref<128x64xf32, #tpu.memory_space<vmem>>, vector<128x64xf32>
    %dot_general3A = arith.constant dense<0.000000e+00> : vector<4096x128xf32>
    %dot_general3A_33 = tpu.matmul %max3A_29, %get3A_32, %dot_general3A {dimension_numbers = #tpu.dot_dimension_numbers<[1], [1], [0], [0], [0, 0, 1, 0], [], []>, transpose_lhs_hint = false} : vector<4096x64xf32>, vector<128x64xf32>, vector<4096x128xf32> -> vector<4096x128xf32>
    %get3A_34 = arith.constant 0 : index
    %get3A_35 = arith.constant 0 : index
    %get3A_36 = vector.load %arg6[%get3A_34, %get3A_35] : memref<1x128xf32, #tpu.memory_space<vmem>>, vector<1x128xf32>
    %add3A_37 = vector.broadcast %get3A_36 : vector<1x128xf32> to vector<4096x128xf32>
    %add3A_38 = arith.addf %dot_general3A_33, %add3A_37 : vector<4096x128xf32>
    %convert_element_type3A_39 = arith.truncf %add3A_38 : vector<4096x128xf32> to vector<4096x128xbf16>
    %swap3A = arith.constant 0 : index
    %swap3A_40 = arith.constant 0 : index
    %swap3A_41 = vector.load %arg7[%swap3A, %swap3A_40] : memref<4096x128xbf16, #tpu.memory_space<vmem>>, vector<4096x128xbf16>
    tpu.vector_store %arg7[%swap3A, %swap3A_40], %convert_element_type3A_39 {strides = array<i32>} : memref<4096x128xbf16, #tpu.memory_space<vmem>>, vector<4096x128xbf16>,
    %reduce_sum3A = arith.constant dense<0.000000e+00> : vector<128xf32>
    %reduce_sum3A_42 = vector.multi_reduction <add>, %add3A_38, %reduce_sum3A [0] : vector<4096x128xf32> to vector<128xf32>
    %broadcast_in_dim3A = vector.shape_cast %reduce_sum3A_42 : vector<128xf32> to vector<1x128xf32>
    %mul3A_43 = arith.mulf %add3A_38, %add3A_38 : vector<4096x128xf32>
    %reduce_sum3A_44 = arith.constant dense<0.000000e+00> : vector<128xf32>
    %reduce_sum3A_45 = vector.multi_reduction <add>, %mul3A_43, %reduce_sum3A_44 [0] : vector<4096x128xf32> to vector<128xf32>
    %broadcast_in_dim3A_46 = vector.shape_cast %reduce_sum3A_45 : vector<128xf32> to vector<1x128xf32>
    %concatenate3A = tpu.concatenate %broadcast_in_dim3A, %broadcast_in_dim3A_46 in 0 : vector<1x128xf32>, vector<1x128xf32> -> vector<2x128xf32>
    %eq3A = arith.constant 0 : i32
    %eq3A_47 = arith.cmpi eq, %arg0, %eq3A : i32
    %convert_element_type3A_48 = arith.extui %eq3A_47 : i1 to i32
    %cond3A = arith.constant 0 : i32
    %cond3A_49 = arith.cmpi ne, %convert_element_type3A_48, %cond3A : i32
    scf.if %cond3A_49 {
      %swap3A_54 = arith.constant 0 : index
      %swap3A_55 = arith.constant 0 : index
      %swap3A_56 = vector.load %arg8[%swap3A_54, %swap3A_55] : memref<2x128xf32, #tpu.memory_space<vmem>>, vector<2x128xf32>
      tpu.vector_store %arg8[%swap3A_54, %swap3A_55], %concatenate3A {strides = array<i32>} : memref<2x128xf32, #tpu.memory_space<vmem>>, vector<2x128xf32>,
    } else {
    }
    %ne3A = arith.constant 0 : i32
    %ne3A_50 = arith.cmpi ne, %arg0, %ne3A : i32
    %convert_element_type3A_51 = arith.extui %ne3A_50 : i1 to i32
    %cond3A_52 = arith.constant 0 : i32
    %cond3A_53 = arith.cmpi ne, %convert_element_type3A_51, %cond3A_52 : i32
    scf.if %cond3A_53 {
      %get3A_54 = arith.constant 0 : index
      %get3A_55 = arith.constant 0 : index
      %get3A_56 = vector.load %arg8[%get3A_54, %get3A_55] : memref<2x128xf32, #tpu.memory_space<vmem>>, vector<2x128xf32>
      %add3A_57 = arith.addf %get3A_56, %concatenate3A : vector<2x128xf32>
      %swap3A_58 = arith.constant 0 : index
      %swap3A_59 = arith.constant 0 : index
      %swap3A_60 = vector.load %arg8[%swap3A_58, %swap3A_59] : memref<2x128xf32, #tpu.memory_space<vmem>>, vector<2x128xf32>
      tpu.vector_store %arg8[%swap3A_58, %swap3A_59], %add3A_57 {strides = array<i32>} : memref<2x128xf32, #tpu.memory_space<vmem>>, vector<2x128xf32>,
    } else {
    }
    return
  }
  func.func @transform_0(%arg0: i32) -> (i32, i32) {
    %c0_i32 = arith.constant 0 : i32
    %c0_i32_0 = arith.constant 0 : i32
    return %arg0, %c0_i32 : i32, i32
  }
  func.func @transform_1(%arg0: i32) -> (i32, i32) {
    %c0_i32 = arith.constant 0 : i32
    %c0_i32_0 = arith.constant 0 : i32
    %c0_i32_1 = arith.constant 0 : i32
    return %c0_i32, %c0_i32_0 : i32, i32
  }
  func.func @transform_2(%arg0: i32) -> (i32, i32) {
    %c0_i32 = arith.constant 0 : i32
    %c0_i32_0 = arith.constant 0 : i32
    %c0_i32_1 = arith.constant 0 : i32
    return %c0_i32, %c0_i32_0 : i32, i32
  }
  func.func @transform_3(%arg0: i32) -> (i32, i32) {
    %c0_i32 = arith.constant 0 : i32
    %c0_i32_0 = arith.constant 0 : i32
    %c0_i32_1 = arith.constant 0 : i32
    return %c0_i32, %c0_i32_0 : i32, i32
  }
  func.func @transform_4(%arg0: i32) -> (i32, i32) {
    %c0_i32 = arith.constant 0 : i32
    %c0_i32_0 = arith.constant 0 : i32
    %c0_i32_1 = arith.constant 0 : i32
    return %c0_i32, %c0_i32_0 : i32, i32
  }
  func.func @transform_5(%arg0: i32) -> (i32, i32) {
    %c0_i32 = arith.constant 0 : i32
    %c0_i32_0 = arith.constant 0 : i32
    %c0_i32_1 = arith.constant 0 : i32
    return %c0_i32, %c0_i32_0 : i32, i32
  }
  func.func @transform_6(%arg0: i32) -> (i32, i32) {
    %c0_i32 = arith.constant 0 : i32
    %c0_i32_0 = arith.constant 0 : i32
    return %arg0, %c0_i32 : i32, i32
  }
  func.func @transform_7(%arg0: i32) -> (i32, i32) {
    %c0_i32 = arith.constant 0 : i32
    %c0_i32_0 = arith.constant 0 : i32
    %c0_i32_1 = arith.constant 0 : i32
    return %c0_i32, %c0_i32_0 : i32, i32
  }
}

module attributes {stable_mosaic.version = 14 : i64} {
  func.func @_last_body(%arg0: i32, %arg1: memref<4096x128xbf16, #tpu.memory_space<vmem>>, %arg2: memref<2x128xf32, #tpu.memory_space<vmem>>, %arg3: memref<1x128xf32, #tpu.memory_space<vmem>>, %arg4: memref<1x128xf32, #tpu.memory_space<vmem>>, %arg5: memref<256x128xf32, #tpu.memory_space<vmem>>, %arg6: memref<1x256xf32, #tpu.memory_space<vmem>>, %arg7: memref<128x256xf32, #tpu.memory_space<vmem>>, %arg8: memref<2x256xf32, #tpu.memory_space<vmem>>) attributes {dimension_semantics = [#tpu.dimension_semantics<arbitrary>], iteration_bounds = array<i64: 32>, scalar_prefetch = 0 : i64, scratch_operands = 0 : i64, tpu.core_type = #tpu.core_type<tc>, window_params = [{transform_indices = @transform_0, window_bounds = array<i64: 4096, 128>}, {pipeline_mode = #tpu.pipeline_mode<synchronous>, transform_indices = @transform_1, window_bounds = array<i64: 2, 128>}, {pipeline_mode = #tpu.pipeline_mode<synchronous>, transform_indices = @transform_2, window_bounds = array<i64: 1, 128>}, {pipeline_mode = #tpu.pipeline_mode<synchronous>, transform_indices = @transform_3, window_bounds = array<i64: 1, 128>}, {pipeline_mode = #tpu.pipeline_mode<synchronous>, transform_indices = @transform_4, window_bounds = array<i64: 256, 128>}, {pipeline_mode = #tpu.pipeline_mode<synchronous>, transform_indices = @transform_5, window_bounds = array<i64: 1, 256>}, {transform_indices = @transform_6, window_bounds = array<i64: 128, 256>}, {pipeline_mode = #tpu.pipeline_mode<synchronous>, transform_indices = @transform_7, window_bounds = array<i64: 2, 256>}]} {
    %get3A = arith.constant 0 : index
    %get3A_0 = arith.constant 0 : index
    %get3A_1 = vector.load %arg2[%get3A, %get3A_0] : memref<2x128xf32, #tpu.memory_space<vmem>>, vector<1x128xf32>
    %mul3A = arith.constant 7.62939453E-6 : f32
    %mul3A_2 = vector.broadcast %mul3A : f32 to vector<1x128xf32>
    %mul3A_3 = arith.mulf %get3A_1, %mul3A_2 : vector<1x128xf32>
    %get3A_4 = arith.constant 1 : index
    %get3A_5 = arith.constant 0 : index
    %get3A_6 = vector.load %arg2[%get3A_4, %get3A_5] : memref<2x128xf32, #tpu.memory_space<vmem>>, vector<1x128xf32>
    %mul3A_7 = arith.constant 7.62939453E-6 : f32
    %mul3A_8 = vector.broadcast %mul3A_7 : f32 to vector<1x128xf32>
    %mul3A_9 = arith.mulf %get3A_6, %mul3A_8 : vector<1x128xf32>
    %mul3A_10 = arith.mulf %mul3A_3, %mul3A_3 : vector<1x128xf32>
    %sub3A = arith.subf %mul3A_9, %mul3A_10 : vector<1x128xf32>
    %get3A_11 = arith.constant 0 : index
    %get3A_12 = arith.constant 0 : index
    %get3A_13 = vector.load %arg3[%get3A_11, %get3A_12] : memref<1x128xf32, #tpu.memory_space<vmem>>, vector<1x128xf32>
    %add3A = arith.constant 9.99999974E-6 : f32
    %add3A_14 = vector.broadcast %add3A : f32 to vector<1x128xf32>
    %add3A_15 = arith.addf %sub3A, %add3A_14 : vector<1x128xf32>
    %sqrt3A = math.sqrt %add3A_15 : vector<1x128xf32>
    %div3A = arith.divf %get3A_13, %sqrt3A : vector<1x128xf32>
    %get3A_16 = arith.constant 0 : index
    %get3A_17 = arith.constant 0 : index
    %get3A_18 = vector.load %arg4[%get3A_16, %get3A_17] : memref<1x128xf32, #tpu.memory_space<vmem>>, vector<1x128xf32>
    %mul3A_19 = arith.mulf %mul3A_3, %div3A : vector<1x128xf32>
    %sub3A_20 = arith.subf %get3A_18, %mul3A_19 : vector<1x128xf32>
    %get3A_21 = arith.constant 0 : index
    %get3A_22 = arith.constant 0 : index
    %get3A_23 = vector.load %arg1[%get3A_21, %get3A_22] : memref<4096x128xbf16, #tpu.memory_space<vmem>>, vector<4096x128xbf16>
    %convert_element_type3A = arith.extf %get3A_23 : vector<4096x128xbf16> to vector<4096x128xf32>
    %mul3A_24 = vector.broadcast %div3A : vector<1x128xf32> to vector<4096x128xf32>
    %mul3A_25 = arith.mulf %convert_element_type3A, %mul3A_24 : vector<4096x128xf32>
    %add3A_26 = vector.broadcast %sub3A_20 : vector<1x128xf32> to vector<4096x128xf32>
    %add3A_27 = arith.addf %mul3A_25, %add3A_26 : vector<4096x128xf32>
    %max3A = arith.constant 0.000000e+00 : f32
    %max3A_28 = vector.broadcast %max3A : f32 to vector<4096x128xf32>
    %max3A_29 = arith.maximumf %add3A_27, %max3A_28 : vector<4096x128xf32>
    %get3A_30 = arith.constant 0 : index
    %get3A_31 = arith.constant 0 : index
    %get3A_32 = vector.load %arg5[%get3A_30, %get3A_31] : memref<256x128xf32, #tpu.memory_space<vmem>>, vector<256x128xf32>
    %dot_general3A = arith.constant dense<0.000000e+00> : vector<4096x256xf32>
    %dot_general3A_33 = tpu.matmul %max3A_29, %get3A_32, %dot_general3A {dimension_numbers = #tpu.dot_dimension_numbers<[1], [1], [0], [0], [0, 0, 1, 0], [], []>, transpose_lhs_hint = false} : vector<4096x128xf32>, vector<256x128xf32>, vector<4096x256xf32> -> vector<4096x256xf32>
    %get3A_34 = arith.constant 0 : index
    %get3A_35 = arith.constant 0 : index
    %get3A_36 = vector.load %arg6[%get3A_34, %get3A_35] : memref<1x256xf32, #tpu.memory_space<vmem>>, vector<1x256xf32>
    %add3A_37 = vector.broadcast %get3A_36 : vector<1x256xf32> to vector<4096x256xf32>
    %add3A_38 = arith.addf %dot_general3A_33, %add3A_37 : vector<4096x256xf32>
    %reduce_sum3A = arith.constant dense<0.000000e+00> : vector<256xf32>
    %reduce_sum3A_39 = vector.multi_reduction <add>, %add3A_38, %reduce_sum3A [0] : vector<4096x256xf32> to vector<256xf32>
    %broadcast_in_dim3A = vector.shape_cast %reduce_sum3A_39 : vector<256xf32> to vector<1x256xf32>
    %mul3A_40 = arith.mulf %add3A_38, %add3A_38 : vector<4096x256xf32>
    %reduce_sum3A_41 = arith.constant dense<0.000000e+00> : vector<256xf32>
    %reduce_sum3A_42 = vector.multi_reduction <add>, %mul3A_40, %reduce_sum3A_41 [0] : vector<4096x256xf32> to vector<256xf32>
    %broadcast_in_dim3A_43 = vector.shape_cast %reduce_sum3A_42 : vector<256xf32> to vector<1x256xf32>
    %concatenate3A = tpu.concatenate %broadcast_in_dim3A, %broadcast_in_dim3A_43 in 0 : vector<1x256xf32>, vector<1x256xf32> -> vector<2x256xf32>
    %eq3A = arith.constant 0 : i32
    %eq3A_44 = arith.cmpi eq, %arg0, %eq3A : i32
    %convert_element_type3A_45 = arith.extui %eq3A_44 : i1 to i32
    %cond3A = arith.constant 0 : i32
    %cond3A_46 = arith.cmpi ne, %convert_element_type3A_45, %cond3A : i32
    scf.if %cond3A_46 {
      %swap3A_54 = arith.constant 0 : index
      %swap3A_55 = arith.constant 0 : index
      %swap3A_56 = vector.load %arg8[%swap3A_54, %swap3A_55] : memref<2x256xf32, #tpu.memory_space<vmem>>, vector<2x256xf32>
      tpu.vector_store %arg8[%swap3A_54, %swap3A_55], %concatenate3A {strides = array<i32>} : memref<2x256xf32, #tpu.memory_space<vmem>>, vector<2x256xf32>,
    } else {
    }
    %ne3A = arith.constant 0 : i32
    %ne3A_47 = arith.cmpi ne, %arg0, %ne3A : i32
    %convert_element_type3A_48 = arith.extui %ne3A_47 : i1 to i32
    %cond3A_49 = arith.constant 0 : i32
    %cond3A_50 = arith.cmpi ne, %convert_element_type3A_48, %cond3A_49 : i32
    scf.if %cond3A_50 {
      %get3A_54 = arith.constant 0 : index
      %get3A_55 = arith.constant 0 : index
      %get3A_56 = vector.load %arg8[%get3A_54, %get3A_55] : memref<2x256xf32, #tpu.memory_space<vmem>>, vector<2x256xf32>
      %add3A_57 = arith.addf %get3A_56, %concatenate3A : vector<2x256xf32>
      %swap3A_58 = arith.constant 0 : index
      %swap3A_59 = arith.constant 0 : index
      %swap3A_60 = vector.load %arg8[%swap3A_58, %swap3A_59] : memref<2x256xf32, #tpu.memory_space<vmem>>, vector<2x256xf32>
      tpu.vector_store %arg8[%swap3A_58, %swap3A_59], %add3A_57 {strides = array<i32>} : memref<2x256xf32, #tpu.memory_space<vmem>>, vector<2x256xf32>,
    } else {
    }
    %reshape3A = vector.shape_cast %add3A_38 : vector<4096x256xf32> to vector<128x32x256xf32>
    %reduce_max3A = arith.constant dense<0xFF800000> : vector<128x256xf32>
    %reduce_max3A_51 = vector.multi_reduction <maximumf>, %reshape3A, %reduce_max3A [1] : vector<128x32x256xf32> to vector<128x256xf32>
    %swap3A = arith.constant 0 : index
    %swap3A_52 = arith.constant 0 : index
    %swap3A_53 = vector.load %arg7[%swap3A, %swap3A_52] : memref<128x256xf32, #tpu.memory_space<vmem>>, vector<128x256xf32>
    tpu.vector_store %arg7[%swap3A, %swap3A_52], %reduce_max3A_51 {strides = array<i32>} : memref<128x256xf32, #tpu.memory_space<vmem>>, vector<128x256xf32>,
    return
  }
  func.func @transform_0(%arg0: i32) -> (i32, i32) {
    %c0_i32 = arith.constant 0 : i32
    %c0_i32_0 = arith.constant 0 : i32
    return %arg0, %c0_i32 : i32, i32
  }
  func.func @transform_1(%arg0: i32) -> (i32, i32) {
    %c0_i32 = arith.constant 0 : i32
    %c0_i32_0 = arith.constant 0 : i32
    %c0_i32_1 = arith.constant 0 : i32
    return %c0_i32, %c0_i32_0 : i32, i32
  }
  func.func @transform_2(%arg0: i32) -> (i32, i32) {
    %c0_i32 = arith.constant 0 : i32
    %c0_i32_0 = arith.constant 0 : i32
    %c0_i32_1 = arith.constant 0 : i32
    return %c0_i32, %c0_i32_0 : i32, i32
  }
  func.func @transform_3(%arg0: i32) -> (i32, i32) {
    %c0_i32 = arith.constant 0 : i32
    %c0_i32_0 = arith.constant 0 : i32
    %c0_i32_1 = arith.constant 0 : i32
    return %c0_i32, %c0_i32_0 : i32, i32
  }
  func.func @transform_4(%arg0: i32) -> (i32, i32) {
    %c0_i32 = arith.constant 0 : i32
    %c0_i32_0 = arith.constant 0 : i32
    %c0_i32_1 = arith.constant 0 : i32
    return %c0_i32, %c0_i32_0 : i32, i32
  }
  func.func @transform_5(%arg0: i32) -> (i32, i32) {
    %c0_i32 = arith.constant 0 : i32
    %c0_i32_0 = arith.constant 0 : i32
    %c0_i32_1 = arith.constant 0 : i32
    return %c0_i32, %c0_i32_0 : i32, i32
  }
  func.func @transform_6(%arg0: i32) -> (i32, i32) {
    %c0_i32 = arith.constant 0 : i32
    %c0_i32_0 = arith.constant 0 : i32
    return %arg0, %c0_i32 : i32, i32
  }
  func.func @transform_7(%arg0: i32) -> (i32, i32) {
    %c0_i32 = arith.constant 0 : i32
    %c0_i32_0 = arith.constant 0 : i32
    %c0_i32_1 = arith.constant 0 : i32
    return %c0_i32, %c0_i32_0 : i32, i32
  }
}

module attributes {stable_mosaic.version = 14 : i64} {
  func.func @_fin_body(%arg0: i32, %arg1: memref<4096x256xf32, #tpu.memory_space<vmem>>, %arg2: memref<2x256xf32, #tpu.memory_space<vmem>>, %arg3: memref<1x256xf32, #tpu.memory_space<vmem>>, %arg4: memref<1x256xf32, #tpu.memory_space<vmem>>, %arg5: memref<4096x256xf32, #tpu.memory_space<vmem>>) attributes {dimension_semantics = [#tpu.dimension_semantics<arbitrary>], iteration_bounds = array<i64: 1>, scalar_prefetch = 0 : i64, scratch_operands = 0 : i64, tpu.core_type = #tpu.core_type<tc>, window_params = [{transform_indices = @transform_0, window_bounds = array<i64: 4096, 256>}, {pipeline_mode = #tpu.pipeline_mode<synchronous>, transform_indices = @transform_1, window_bounds = array<i64: 2, 256>}, {pipeline_mode = #tpu.pipeline_mode<synchronous>, transform_indices = @transform_2, window_bounds = array<i64: 1, 256>}, {pipeline_mode = #tpu.pipeline_mode<synchronous>, transform_indices = @transform_3, window_bounds = array<i64: 1, 256>}, {transform_indices = @transform_4, window_bounds = array<i64: 4096, 256>}]} {
    %get3A = arith.constant 0 : index
    %get3A_0 = arith.constant 0 : index
    %get3A_1 = vector.load %arg2[%get3A, %get3A_0] : memref<2x256xf32, #tpu.memory_space<vmem>>, vector<1x256xf32>
    %mul3A = arith.constant 7.62939453E-6 : f32
    %mul3A_2 = vector.broadcast %mul3A : f32 to vector<1x256xf32>
    %mul3A_3 = arith.mulf %get3A_1, %mul3A_2 : vector<1x256xf32>
    %get3A_4 = arith.constant 1 : index
    %get3A_5 = arith.constant 0 : index
    %get3A_6 = vector.load %arg2[%get3A_4, %get3A_5] : memref<2x256xf32, #tpu.memory_space<vmem>>, vector<1x256xf32>
    %mul3A_7 = arith.constant 7.62939453E-6 : f32
    %mul3A_8 = vector.broadcast %mul3A_7 : f32 to vector<1x256xf32>
    %mul3A_9 = arith.mulf %get3A_6, %mul3A_8 : vector<1x256xf32>
    %mul3A_10 = arith.mulf %mul3A_3, %mul3A_3 : vector<1x256xf32>
    %sub3A = arith.subf %mul3A_9, %mul3A_10 : vector<1x256xf32>
    %get3A_11 = arith.constant 0 : index
    %get3A_12 = arith.constant 0 : index
    %get3A_13 = vector.load %arg3[%get3A_11, %get3A_12] : memref<1x256xf32, #tpu.memory_space<vmem>>, vector<1x256xf32>
    %add3A = arith.constant 9.99999974E-6 : f32
    %add3A_14 = vector.broadcast %add3A : f32 to vector<1x256xf32>
    %add3A_15 = arith.addf %sub3A, %add3A_14 : vector<1x256xf32>
    %sqrt3A = math.sqrt %add3A_15 : vector<1x256xf32>
    %div3A = arith.divf %get3A_13, %sqrt3A : vector<1x256xf32>
    %get3A_16 = arith.constant 0 : index
    %get3A_17 = arith.constant 0 : index
    %get3A_18 = vector.load %arg4[%get3A_16, %get3A_17] : memref<1x256xf32, #tpu.memory_space<vmem>>, vector<1x256xf32>
    %mul3A_19 = arith.mulf %mul3A_3, %div3A : vector<1x256xf32>
    %sub3A_20 = arith.subf %get3A_18, %mul3A_19 : vector<1x256xf32>
    %get3A_21 = arith.constant 0 : index
    %get3A_22 = arith.constant 0 : index
    %get3A_23 = vector.load %arg1[%get3A_21, %get3A_22] : memref<4096x256xf32, #tpu.memory_space<vmem>>, vector<4096x256xf32>
    %mul3A_24 = vector.broadcast %div3A : vector<1x256xf32> to vector<4096x256xf32>
    %mul3A_25 = arith.mulf %get3A_23, %mul3A_24 : vector<4096x256xf32>
    %add3A_26 = vector.broadcast %sub3A_20 : vector<1x256xf32> to vector<4096x256xf32>
    %add3A_27 = arith.addf %mul3A_25, %add3A_26 : vector<4096x256xf32>
    %max3A = arith.constant 0.000000e+00 : f32
    %max3A_28 = vector.broadcast %max3A : f32 to vector<4096x256xf32>
    %max3A_29 = arith.maximumf %add3A_27, %max3A_28 : vector<4096x256xf32>
    %swap3A = arith.constant 0 : index
    %swap3A_30 = arith.constant 0 : index
    %swap3A_31 = vector.load %arg5[%swap3A, %swap3A_30] : memref<4096x256xf32, #tpu.memory_space<vmem>>, vector<4096x256xf32>
    tpu.vector_store %arg5[%swap3A, %swap3A_30], %max3A_29 {strides = array<i32>} : memref<4096x256xf32, #tpu.memory_space<vmem>>, vector<4096x256xf32>,
    return
  }
  func.func @transform_0(%arg0: i32) -> (i32, i32) {
    %c0_i32 = arith.constant 0 : i32
    %c0_i32_0 = arith.constant 0 : i32
    return %arg0, %c0_i32 : i32, i32
  }
  func.func @transform_1(%arg0: i32) -> (i32, i32) {
    %c0_i32 = arith.constant 0 : i32
    %c0_i32_0 = arith.constant 0 : i32
    %c0_i32_1 = arith.constant 0 : i32
    return %c0_i32, %c0_i32_0 : i32, i32
  }
  func.func @transform_2(%arg0: i32) -> (i32, i32) {
    %c0_i32 = arith.constant 0 : i32
    %c0_i32_0 = arith.constant 0 : i32
    %c0_i32_1 = arith.constant 0 : i32
    return %c0_i32, %c0_i32_0 : i32, i32
  }
  func.func @transform_3(%arg0: i32) -> (i32, i32) {
    %c0_i32 = arith.constant 0 : i32
    %c0_i32_0 = arith.constant 0 : i32
    %c0_i32_1 = arith.constant 0 : i32
    return %c0_i32, %c0_i32_0 : i32, i32
  }
  func.func @transform_4(%arg0: i32) -> (i32, i32) {
    %c0_i32 = arith.constant 0 : i32
    %c0_i32_0 = arith.constant 0 : i32
    return %arg0, %c0_i32 : i32, i32
  }
}

</mosaic_0001>

<sc_bundles>
// kernel: kernel.9.cloned.1.call-start
scs
__scs_entry_jumppad:
0x0: {  	(pc) =	sbr.rel $0x88, $3  }
0x1: {  	(tag) =	ssettag $0x0;
	lr =	simm.s32 $0x1  }
0x2: {  	[smem:$0x3F94] =	sst lr;
	_ =	strace $0xD0000000  }
0x3: {  	_ = 	snop  }
0x4: {  	_ = 	snop  }
0x5: {  	_ = 	snop  }
0x6: {  	_ = 	snop  }
0x7: {  	_ = 	snop  }
__scs_overlays_trampoline_lowered:
0x8: {  	[smem:$0x3FA3] =	sst s0  }
0x9: {  	[smem:$0x3FA4] =	sst s1  }
0xa: {  	[smem:$0x3FA5] =	sst s2  }
0xb: {  	[smem:$0x3FA6] =	sst s3  }
0xc: {  	[smem:$0x3FA7] =	sst s4  }
0xd: {  	[smem:$0x3FA8] =	sst s5  }
0xe: {  	[smem:$0x3FA9] =	sst s6  }
0xf: {  	[smem:$0x3FAA] =	sst s7  }
0x10: {  	[smem:$0x3FAB] =	sst s8  }
0x11: {  	[smem:$0x3FAC] =	sst s9;
	s0 =	simm.s32 @!p0 $0x0  }
0x12: {  	s1 =	sld [smem:$0x3F92];
	s0 =	simm.s32 @p0 $0x1  }
0x13: {  	[smem:$0x3FAD] =	sst s0;
	s0 =	simm.s32 @!p1 $0x0  }
0x14: {  	s2 =	sld [smem:$0x3F91];
	s0 =	simm.s32 @p1 $0x1  }
0x15: {  	[smem:$0x3FAE] =	sst s0;
	s0 =	simm.s32 @!p2 $0x0  }
0x16: {  	s3 =	sld [smem:$0x3FDB];
	s0 =	simm.s32 @p2 $0x1  }
0x17: {  	s4 =	simm.s32 $0x1BF5;
	[smem:$0x3FB0] =	sst s0  }
0x18: {  	s0 =	sld [smem:$0x3F93];
	_ =	swait.ge [sflag:s4], $0x0  }
0x19: {  	s7 =	sld [smem:$0x3F94]  }
0x1a: {  	s8 =	sadd.s32 $0xFFFFE003, lr  }
0x1b: {  	s9 =	sadd.s32 $0xFFFFFEF7, lr;
	s5 =	simm.s32 $0xFFFFFFFF;
	p2 =	slt.u32 s8, $0xFFFFF086  }
0x1c: {  	p1 =	slt.u32 s9, $0xF7A;
	s5 =	simm.s32 @!p2 $0x0  }
0x1d: {  	s5 =	simm.s32 @p1 $0x1;
	p0 =	seq.s32 s7, s2  }
0x1e: {  	s7 =	smul.u32 @!p0 $0xF7A, s2;
	p2 =	seq.s32 @!p0 s5, $0x0  }
0x1f: {  	s9 =	smul.u32 $0xF7A, s1;
	s8 =	simm.s32 @!p0 $0x1BF5;
	p2 =	por !p2, p0  }
0x20: {  	[sflag:s8] =	ssyncset.s32 @!p0 $0xFFFFF086;
	s6 =	sadd.s32 @!p0 s3, s7;
	s7 =	simm.s32 @!p0 $0x108  }
0x21: {  	s3 =	sadd.s32 s3, s9;
	s6 =	sadd.s32 @!p0 $0x88, s6;
	s7 =	simm.s32 @p2 $0x1082  }
0x22: {  	[simem:s7], [sflag:s8] =	dma.local @!p0 [hbm:s6], $0xF7A  }
0x23: {  	s9 =	sor.u32 $0xD0000000, s2;
	s6 =	simm.s32 $0x108;
	_ =	swait.ge @!p0 [sflag:s8], $0x0  }
0x24: {  	s3 =	sadd.s32 $0x88, s3;
	s6 =	simm.s32 @!p1 $0x1082;
	[sflag:s4] =	ssyncset.s32 $0xFFFFF086  }
0x25: {  	[simem:s6], [sflag:s4] =	dma.local [hbm:s3], $0xF7A  }
0x26: {  	[smem:$0x3F94] =	sst s1;
	(tag) =	ssettag s2;
	_ =	strace s9  }
0x27: {  	s1 =	sld [smem:$0x3FA4]  }
0x28: {  	s2 =	sld [smem:$0x3FA5]  }
0x29: {  	s4 =	sld [smem:$0x3FA7]  }
0x2a: {  	p0 =	seq.s32 s5, $0x0;
	s5 =	sld [smem:$0x3FA8]  }
0x2b: {  	s6 =	sld [smem:$0x3FA9]  }
0x2c: {  	s7 =	sld [smem:$0x3FAA]  }
0x2d: {  	s3 =	simm.s32 $0x108;
	s8 =	sld [smem:$0x3FAB]  }
0x2e: {  	s3 =	simm.s32 @!p0 $0x1082;
	s9 =	sld [smem:$0x3FAC]  }
0x2f: {  	lr =	sadd.s32 s0, s3;
	s0 =	sld [smem:$0x3FA3]  }
0x30: {  	s3 =	sld [smem:$0x3FA6]  }
0x31: {  	[smem:$0x3FAF] =	sst s10  }
0x32: {  	s10 =	sld [smem:$0x3FAD];
	_ =	sdelay $0x3  }
0x33: {  	p0 =	seq.s32 s10, $0x1;
	s10 =	sld [smem:$0x3FAF];
	_ =	sdelay $0x3  }
0x34: {  	[smem:$0x3FAF] =	sst s10  }
0x35: {  	s10 =	sld [smem:$0x3FAE];
	_ =	sdelay $0x3  }
0x36: {  	p1 =	seq.s32 s10, $0x1;
	s10 =	sld [smem:$0x3FAF];
	_ =	sdelay $0x3  }
0x37: {  	[smem:$0x3FAF] =	sst s10  }
0x38: {  	s10 =	sld [smem:$0x3FB0]  }
0x39: {  	_ = 	snop;
	(pc) =	sbr.ind lr, $3  }
0x3a: {  	_ = 	snop  }
0x3b: {  	_ = 	snop  }
0x3c: {  	p2 =	seq.s32 s10, $0x1;
	s10 =	sld [smem:$0x3FAF]  }
0x3d: {  	_ =	shalt  }
0x3e: {  	_ =	shalt  }
0x3f: {  	_ =	shalt  }
0x40: {  	_ =	shalt  }
0x41: {  	_ =	shalt  }
0x42: {  	_ =	shalt  }
0x43: {  	_ =	shalt  }
0x44: {  	_ =	shalt  }
0x45: {  	_ =	shalt  }
0x46: {  	_ =	shalt  }
0x47: {  	_ =	shalt  }
0x48: {  	_ =	shalt  }
0x49: {  	_ =	shalt  }
0x4a: {  	_ =	shalt  }
0x4b: {  	_ =	shalt  }
0x4c: {  	_ =	shalt  }
0x4d: {  	_ =	shalt  }
0x4e: {  	_ =	shalt  }
0x4f: {  	_ =	shalt  }
0x50: {  	_ =	shalt  }
0x51: {  	_ =	shalt  }
0x52: {  	_ =	shalt  }
0x53: {  	_ =	shalt  }
0x54: {  	_ =	shalt  }
0x55: {  	_ =	shalt  }
0x56: {  	_ =	shalt  }
0x57: {  	_ =	shalt  }
0x58: {  	_ =	shalt  }
0x59: {  	_ =	shalt  }
0x5a: {  	_ =	shalt  }
0x5b: {  	_ =	shalt  }
0x5c: {  	_ =	shalt  }
0x5d: {  	_ =	shalt  }
0x5e: {  	_ =	shalt  }
0x5f: {  	_ =	shalt  }
0x60: {  	_ =	shalt  }
0x61: {  	_ =	shalt  }
0x62: {  	_ =	shalt  }
0x63: {  	_ =	shalt  }
0x64: {  	_ =	shalt  }
0x65: {  	_ =	shalt  }
0x66: {  	_ =	shalt  }
0x67: {  	_ =	shalt  }
0x68: {  	_ =	shalt  }
0x69: {  	_ =	shalt  }
0x6a: {  	_ =	shalt  }
0x6b: {  	_ =	shalt  }
0x6c: {  	_ =	shalt  }
0x6d: {  	_ =	shalt  }
0x6e: {  	_ =	shalt  }
0x6f: {  	_ =	shalt  }
0x70: {  	_ =	shalt  }
0x71: {  	_ =	shalt  }
0x72: {  	_ =	shalt  }
0x73: {  	_ =	shalt  }
0x74: {  	_ =	shalt  }
0x75: {  	_ =	shalt  }
0x76: {  	_ =	shalt  }
0x77: {  	_ =	shalt  }
0x78: {  	_ =	shalt  }
0x79: {  	_ =	shalt  }
0x7a: {  	_ =	shalt  }
0x7b: {  	_ =	shalt  }
0x7c: {  	_ =	shalt  }
0x7d: {  	_ =	shalt  }
0x7e: {  	_ =	shalt  }
0x7f: {  	_ =	shalt  }
0x80: {  	_ =	shalt  }
0x81: {  	_ =	shalt  }
0x82: {  	_ =	shalt  }
0x83: {  	_ =	shalt  }
0x84: {  	_ =	shalt  }
0x85: {  	_ =	shalt  }
0x86: {  	_ =	shalt  }
0x87: {  	_ =	shalt  }
.Lfunc_end0:
.L_simem_size_0:
called_computation_lowered:
.L_overlay_start_0:
0x88: {  	s2 =	sld [smem:$0x3FD9]  }
0x89: {  	s3 =	sld [smem:$0x3FFE];
	_ =	sdelay $0x1  }
0x8a: {  	s1 =	srdreg.scid  }
0x8b: {  	s0 =	sand.u32 $0x1, s1  }
0x8c: {  	s14 =	sshll.u32 s0, $0xA;
	s2 =	sadd.s32 s3, s2  }
0x8d: {  	s2 =	sadd.s32 s2, s14  }
0x8e: {  	[smem:$0x3FBB] =	sst s2  }
0x8f: {  	_ = 	snop  }
0x90: {  	s2 =	sld [smem:$0x3FD0];
	_ =	sdelay $0x2  }
0x91: {  	s15 =	simm.s32 $0xA;
	s4 =	simm.s32 $0x10  }
0x92: {  	[smem:s4], [sflag:s15] =	dma.local [hbm:s2], $0x1  }
0x93: {  	_ =	swait.eq [sflag:s15], $0x1  }
0x94: {  	[sflag:s15] =	ssyncset.done $0x0  }
0x95: {  	[sflag:s15] =	ssyncadd.s32 $0xFFFFFFFF  }
0x96: {  	s16 =	sld [smem:$0x11];
	(tm) =	ssettm $0x1  }
0x97: {  	s17 =	sld [smem:$0x3FFB];
	_ =	sdelay $0x3  }
0x98: {  	_ =	strace s17  }
0x99: {  	s3 =	sld [smem:$0x3FFC];
	_ =	sdelay $0x3  }
0x9a: {  	_ =	strace s3  }
0x9b: {  	s3 =	sld [smem:$0x3FFD];
	_ =	sdelay $0x3  }
0x9c: {  	_ =	strace s3  }
0x9d: {  	_ =	strace $0x8FFFFFFF  }
0x9e: {  	s18 =	sld [smem:$0x3FDB];
	_ =	sdelay $0x1  }
0x9f: {  	s19 =	simm.s32 $_scs_section_size  }
0xa0: {  	s5 =	simm.s32 $_size__tile_overlayer_lowered;
	s6 =	simm.s32 $_tile_overlayer_lowered  }
0xa1: {  	s22 =	simm.s32 $0x1BFF;
	s21 =	sshll.u32 s6, $0x1;
	s3 =	sadd.s32 s19, s18  }
0xa2: {  	s7 =	simm.s32 $0x0;
	s20 =	sshll.u32 s5, $0x1;
	s5 =	sadd.s32 s21, s3  }
0xa3: {  	[timem:s7], [sflag:s22] =	dma.local [hbm:s5], s20  }
0xa4: {  	_ =	swait.ge [sflag:s22], s20  }
0xa5: {  	s4 =	ssub.s32 $0x0, s20;
	[sflag:s22] =	ssyncset.done $0x0  }
0xa6: {  	[sflag:s22] =	ssyncadd.s32 s4;
	_ =	sdelay $0x1  }
0xa7: {  	s23 =	simm.s32 $0x1B8B  }
0xa8: {  	_ =	swait.ge [sflag:s23], $0x1  }
0xa9: {  	[sflag:s23] =	ssyncset.done $0x0  }
0xaa: {  	s25 =	simm.s32 $0x1B8E;
	s24 =	sld [smem:$0x3FFE];
	[sflag:s23] =	ssyncadd.s32 $0xFFFFFFFF  }
0xab: {  	s26 =	simm.s32 $execute0_lowered;
	[smem:$0x3FD2] =	sst s25  }
0xac: {  	s5 =	sshll.u32 s26, $0x1;
	_ =	strace $0x80000046;
	[dreg:$0x1] =	wrdreg $0xFFFFFFFF  }
0xad: {  	s28 =	simm.s32 $_size_execute0_lowered;
	s3 =	sadd.s32 s3, s5;
	[dreg:$0x0] =	wrdreg $0x0  }
0xae: {  	s5 =	sshll.u32 s28, $0x1;
	[dreg:$0x2] =	wrdreg s3  }
0xaf: {  	[dreg:$0x3] =	wrdreg s5  }
0xb0: {  	[dreg:$0x4] =	wrdreg $0xC0  }
0xb1: {  	_ =	task [dreg:s7], $0x5FFFF  }
0xb2: {  	[dreg:$0x1] =	wrdreg $0xFFFFFFFF  }
0xb3: {  	[dreg:$0x0] =	wrdreg $0x60  }
0xb4: {  	[dreg:$0x2] =	wrdreg s24  }
0xb5: {  	[dreg:$0x3] =	wrdreg s16  }
0xb6: {  	[dreg:$0x4] =	wrdreg $0x9  }
0xb7: {  	_ =	task.clear_ibuf [dreg:s7], $0x5FFFF;
	_ =	strace $0x90000046  }
0xb8: {  	s29 =	simm.s32 $0x9;
	_ =	strace $0x80000048  }
0xb9: {  	_ =	swait.ge [sflag:s29], $0x1  }
0xba: {  	[sflag:s29] =	ssyncadd.s32 $0xFFFFFFFF  }
0xbb: {  	_ =	strace $0x90000048  }
0xbc: {  	_ =	sfence  }
0xbd: {  	s30 =	sld [smem:$0x0];
	_ =	sdelay $0x2  }
0xbe: {  	s31 =	sshll.u32 s1, $0xD;
	s1 =	sshrl.u32 s1, $0x2  }
0xbf: {  	s3 =	sand.u32 $0x4000, s31;
	s1 =	sadd.s32 s1, s30  }
0xc0: {  	s0 =	sor.u32 s3, s0;
	s1 =	sshll.u32 s1, $0x11  }
0xc1: {  	s0 =	sor.u32 s1, s0  }
0xc2: {  	s0 =	sadd.s32 $0x8F2B, s0  }
0xc3: {  	[sflag:s0] =	ssyncadd.remote.s32 $0x1  }
0xc4: {  	_ =	sfence.sel $0xFFFF  }
0xc5: {  	[dreg:$0x0] =	wrdreg $0xFFFFFFFF;
	(pc) =	sbr.abs _section_cstart, $3  }
0xc6: {  	[dreg:$0x1] =	wrdreg $0xFFFFFFFF  }
0xc7: {  	_ =	task.clear_ibuf [dreg:s7], $0x2FFFF;
	_ =	strace $0x9FFFFFFF  }
0xc8: {  	(tm) =	ssettm $0x7FFFFFFF  }
0xc9: {  	_ =	shalt  }
tec
execute0_lowered:
.L_overlay_start_1:
0x0: {  	(tag) =	ssettag $0x1  }
0x1: {  	s3 =	rddreg [dreg:$0x0]  }
0x2: {  	s6 =	rddreg [dreg:$0x1]  }
0x3: {  	s0 =	rddreg [dreg:$0x2]  }
0x4: {  	s2 =	simm.s32 $0x0;
	s4 =	srdreg.scid;
	s1 =	stileid.u32  }
0x5: {  	s12 =	simm.s32 $0x1000;
	s13 =	simm.s32 $0x2000;
	s14 =	simm.s32 $0x3000  }
0x6: {  	s15 =	simm.s32 $0x4000;
	s17 =	simm.s32 $0x6000;
	s18 =	simm.s32 $0x0  }
0x7: {  	[smem:$0x7FF] =	sst s2;
	s4 =	sand.u32 $0x1, s4;
	s5 =	sshll.u32 s1, $0xB  }
0x8: {  	s7 =	sshll.u32 s1, $0xA;
	_ =	strace $0x80000047;
	s8 =	sshll.u32 s4, $0x9  }
0x9: {  	s16 =	sand.u32 $0x7000, s5;
	s4 =	ssub.s32 $0x2, s4;
	s7 =	sor.u32 s8, s7  }
0xa: {  	s5 =	sshrl.u32 s16, $0x3;
	s9 =	sshrl.u32 s4, $0x1;
	v0 =	vmov s16;
	s16 =	simm.s32 $0x5000  }
0xb: {  	s8 =	sadd.s32 s7, s3;
	s10 =	sadd.s32 s5, s3;
	s11 =	ssub.s32 s4, s9  }
0xc: {  	s6 =	sadd.s32 s6, s7;
	s3 =	sadd.s32 $0x5800, s8;
	s4 =	sadd.s32 $0x2800, s10  }
0xd: {  	s5 =	sadd.s32 $0x3800, s10;
	s7 =	sadd.s32 $0x4800, s10;
	s8 =	sadd.s32 $0x4000, s6  }
0xe: {  	s9 =	sadd.s32 $0x8000, s6;
	s10 =	smax.u32 s11, $0x1;
	s11 =	simm.s32 $0x1  }
.LBB2_1:
0xf: {  	[tilespmem:s2], [sflag:$0x1] =	stream.linear.gather [hbm4b:s3+s2], $0x1000, $0x38;
	[tilespmem:$0x7000] =	vst v63  }
0x10: {  	_ =	swait.ge [sflag:s11], $0x1000  }
0x11: {  	[sflag:s11] =	ssyncset.done $0x0  }
0x12: {  	[sflag:s11] =	ssyncadd.s32 $0xFFFFF000  }
0x13: {  	[tilespmem:s12], [sflag:$0x1] =	stream.linear.gather [hbm4b:s4+s2], $0x1000, $0x38;
	[tilespmem:$0x7000] =	vst v63  }
0x14: {  	_ =	swait.ge [sflag:s11], $0x1000  }
0x15: {  	[sflag:s11] =	ssyncset.done $0x0  }
0x16: {  	[sflag:s11] =	ssyncadd.s32 $0xFFFFF000  }
0x17: {  	[tilespmem:s13], [sflag:$0x1] =	stream.linear.gather [hbm4b:s5+s2], $0x1000, $0x38;
	[tilespmem:$0x7000] =	vst v63  }
0x18: {  	_ =	swait.ge [sflag:s11], $0x1000  }
0x19: {  	[sflag:s11] =	ssyncset.done $0x0  }
0x1a: {  	[sflag:s11] =	ssyncadd.s32 $0xFFFFF000  }
0x1b: {  	[tilespmem:s14], [sflag:$0x1] =	stream.linear.gather [hbm4b:s7+s2], $0x1000, $0x38;
	[tilespmem:$0x7000] =	vst v63  }
0x1c: {  	_ =	swait.ge [sflag:s11], $0x1000  }
0x1d: {  	[sflag:s11] =	ssyncset.done $0x0  }
0x1e: {  	s19 =	simm.s32 $0x0;
	[sflag:s11] =	ssyncadd.s32 $0xFFFFF000  }
0x1f: {  	v1 =	vld [tilespmem:s19+$0x0];
	_ =	sdelay $0x4  }
0x20: {  	v2 =	vsub.s32 v1, v0  }
0x21: {  	v1 =	vand.u32 $0x7F, v1;
	v2 =	vand.u32 $0xFFFFFF80, v2  }
0x22: {  	v1 =	vor.u32 v1, v2;
	_ =	sdelay $0x4  }
0x23: {  	v2 =	vld.idx.msk [tilespmem:v1+s12+$0x0], $0xffff;
	_ =	sdelay $0x4  }
0x24: {  	[tilespmem:s19+$0x4000] =	vst v2  }
0x25: {  	s20 =	simm.s32 $0x10;
	s21 =	simm.s32 $0x80;
	v2 =	vld.idx.msk [tilespmem:v1+s13+$0x0], $0xffff  }
.LBB2_2:
0x26: {  	p0 =	sne.s32 s21, $0x3FC0;
	v3 =	vld [tilespmem:s20+$0x0];
	_ =	sdelay $0x3  }
0x27: {  	[tilespmem:s19+$0x5000] =	vst v2  }
0x28: {  	v2 =	vsub.s32 v3, v0;
	v4 =	vld.idx.msk [tilespmem:v1+s14+$0x0], $0xffff  }
0x29: {  	v1 =	vand.u32 $0xFFFFFF80, v2;
	v2 =	vand.u32 $0x7F, v3  }
0x2a: {  	v1 =	vor.u32 v2, v1;
	_ =	sdelay $0x3  }
0x2b: {  	[tilespmem:s19+$0x6000] =	vst v4;
	s19 =	smov.u32 s20  }
0x2c: {  	v2 =	vld.idx.msk [tilespmem:v1+s12+$0x0], $0xffff;
	_ =	sdelay $0x3  }
.Ltmp0:
0x2d: {  	(pc) =	sbr.rel @p0 .LBB2_2-.Ltmp0, $4  }
0x2e: {  	_ = 	snop  }
0x2f: {  	[tilespmem:s19+$0x4000] =	vst v2  }
0x30: {  	v2 =	vld.idx.msk [tilespmem:v1+s13+$0x0], $0xffff  }
0x31: {  	s20 =	sshra.s32 s21, $0x2;
	s21 =	sadd.s32 $0x40, s21  }
0x32: {  	v3 =	vld [tilespmem:s20+$0x0];
	_ =	sdelay $0x4  }
0x33: {  	[tilespmem:s19+$0x5000] =	vst v2;
	v2 =	vsub.s32 v3, v0  }
0x34: {  	v1 =	vld.idx.msk [tilespmem:v1+s14+$0x0], $0xffff;
	v3 =	vand.u32 $0x7F, v3;
	v2 =	vand.u32 $0xFFFFFF80, v2  }
0x35: {  	v2 =	vor.u32 v3, v2;
	_ =	sdelay $0x3  }
0x36: {  	[tilespmem:s19+$0x6000] =	vst v1  }
0x37: {  	v1 =	vld.idx.msk [tilespmem:v2+s12+$0x0], $0xffff;
	_ =	sdelay $0x4  }
0x38: {  	[tilespmem:s20+$0x4000] =	vst v1  }
0x39: {  	v1 =	vld.idx.msk [tilespmem:v2+s13+$0x0], $0xffff;
	_ =	sdelay $0x4  }
0x3a: {  	[tilespmem:s20+$0x5000] =	vst v1  }
0x3b: {  	v1 =	vld.idx.msk [tilespmem:v2+s14+$0x0], $0xffff;
	_ =	sdelay $0x4  }
0x3c: {  	[tilespmem:s20+$0x6000] =	vst v1  }
0x3d: {  	[hbm4b:s6+s2] =	stream.linear.scatter [tilespmem:s15], [sflag:$0x1], $0x1000, $0x38;
	[tilespmem:$0x7000] =	vst v63  }
0x3e: {  	_ =	swait.ge [sflag:s11], $0x1000  }
0x3f: {  	[sflag:s11] =	ssyncset.done $0x0  }
0x40: {  	[sflag:s11] =	ssyncadd.s32 $0xFFFFF000  }
0x41: {  	[hbm4b:s8+s2] =	stream.linear.scatter [tilespmem:s16], [sflag:$0x1], $0x1000, $0x38;
	[tilespmem:$0x7000] =	vst v63  }
0x42: {  	s18 =	sadd.s32 $0x1, s18;
	_ =	swait.ge [sflag:s11], $0x1000  }
0x43: {  	p0 =	sne.s32 s18, s10;
	[sflag:s11] =	ssyncset.done $0x0  }
.Ltmp1:
0x44: {  	[sflag:s11] =	ssyncadd.s32 $0xFFFFF000;
	(pc) =	sbr.rel @p0 .LBB2_1-.Ltmp1, $4  }
0x45: {  	[hbm4b:s9+s2] =	stream.linear.scatter [tilespmem:s17], [sflag:$0x1], $0x1000, $0x38;
	[tilespmem:$0x7000] =	vst v63  }
0x46: {  	_ =	swait.ge [sflag:s11], $0x1000  }
0x47: {  	[sflag:s11] =	ssyncset.done $0x0  }
0x48: {  	[sflag:s11] =	ssyncadd.s32 $0xFFFFF000  }
0x49: {  	_ =	sfence.sel $0x180000  }
0x4a: {  	[bflag:$0x0] =	sbarrier.arrive $0xFFFF  }
0x4b: {  	p0 =	sne.s32 s1, $0x0;
	_ =	strace $0x90000047  }
0x4c: {  	s0 =	sadd.s32 @!p0 $0x100000, s0;
	[bflag:$0x2] =	sbarrier.arrive $0xFFFF  }
0x4d: {  	[sflag:s0] =	ssyncadd.tile.s32 @!p0 $0x1;
	_ =	shalt  }
.Lfunc_end2:
_tile_overlayer_lowered:
.L_overlay_start_2:
0x4e: {  	(tag) =	ssettag $0x2  }
0x4f: {  	s0 =	rddreg [dreg:$0x0];
	s2 =	stileid.u32  }
0x50: {  	s1 =	rddreg [dreg:$0x1];
	p0 =	sne.s32 s2, $0x0  }
0x51: {  	s3 =	rddreg [dreg:$0x2];
	[bflag:$0x3] =	sbarrier.arrive $0xFFFF;
	s2 =	simm.s32 @!p0 $0x1C01  }
0x52: {  	[timem:s3], [sflag:s2] =	dma.local @!p0 [hbm:s0], s1  }
0x53: {  	s0 =	simm.s32 @!p0 $0x1  }
0x54: {  	_ =	swait.ge @!p0 [sflag:s0], s1  }
0x55: {  	s1 =	ssub.s32 @!p0 $0x0, s1;
	[sflag:s0] =	ssyncset.done @!p0 $0x0  }
0x56: {  	[sflag:s0] =	ssyncadd.s32 @!p0 s1  }
0x57: {  	[bflag:$0x3] =	sbarrier.arrive $0xFFFF  }
0x58: {  	_ =	shalt  }

</sc_bundles>
